<compile_context>
chip_gen: v7x
topology: tpu7x:2x2x1
jax: 0.10.2.dev20260603
libtpu: 0.0.44.dev20260713+nightly
codegen_flags: <defaults>
</compile_context>

<pallas_src>
import dataclasses
import functools

import jax
import jax.numpy as jnp
from jax import lax
from jax.experimental import pallas as pl
from jax.experimental.pallas import tpu as pltpu
from jax.experimental.pallas import tpu_sc as plsc

N = 10000
E = 320000
D = 128
H = 128
G = 64
HID = 128
OUT = 2

NC = 2
NS = 16
NW = NC * NS
L = 16

CHUNK = 128
GRP = 8
NCHP = 160
NCH0 = 120
NCH1 = NCHP - NCH0
EPAD = NS * NCHP * CHUNK
NPAD = 10240
RPS = NPAD // NS
EG = GRP * CHUNK

RB = 640
NB = NPAD // RB

_DOT = lax.Precision.HIGHEST


def _row_index_list():
    s = jnp.arange(NS)[:, None, None]
    z = jnp.arange(8)[None, :, None]
    lane = jnp.arange(CHUNK)[None, None, :]
    idx = s * RPS + z * CHUNK + lane
    idx = jnp.where(z < RPS // CHUNK, idx, 0)
    return idx.reshape(NS * 8, CHUNK).astype(jnp.int32)


def _sc_segment_sum(src1d, dst2d, dst1d, x, ridx, zsum, zcnt):
    mesh = plsc.VectorSubcoreMesh(
        core_axis_name="c", subcore_axis_name="s",
        num_cores=NC, num_subcores=NS)

    cp = pltpu.CompilerParams()
    if "needs_layout_passes" in pltpu.CompilerParams.__dataclass_fields__:
        cp = dataclasses.replace(cp, needs_layout_passes=False)

    @functools.partial(
        pl.kernel,
        compiler_params=cp,
        out_type=(
            jax.ShapeDtypeStruct((NC * NPAD, D), jnp.float32),
            jax.ShapeDtypeStruct((NW * NPAD,), jnp.float32),
        ),
        mesh=mesh,
        scratch_types=[
            pltpu.VMEM((GRP, CHUNK), jnp.int32),
            pltpu.VMEM((GRP, CHUNK), jnp.int32),
            pltpu.VMEM((EG,), jnp.int32),
            pltpu.VMEM((EG,), jnp.int32),
            pltpu.VMEM((CHUNK, D), jnp.float32),
            pltpu.VMEM((CHUNK, D), jnp.float32),
            pltpu.VMEM((NPAD,), jnp.float32),
            pltpu.VMEM_SHARED((NPAD, D), jnp.float32),
            pltpu.SemaphoreType.DMA,
            pltpu.SemaphoreType.DMA,
            pltpu.SemaphoreType.DMA,
            pltpu.SemaphoreType.DMA,
        ],
    )
    def k(dst_hbm, src1_hbm, dst1_hbm, x_hbm, ridx_hbm, zs_hbm,
          zc_hbm, sum_hbm, cnt_hbm,
          src_v, dst_v, srcf_v, dstf_v, rows_v, rows2_v, cnt_v, acc_sh,
          sem_a0, sem_a1, sem_b0, sem_b1):
        cid = lax.axis_index("c")
        sid = lax.axis_index("s")
        wid = sid * NC + cid
        obase = cid * NPAD + sid * RPS
        nz = RPS // CHUNK

        pltpu.sync_copy(zs_hbm, rows_v)
        pltpu.sync_copy(zc_hbm, cnt_v)
        pltpu.sync_copy(ridx_hbm.at[pl.ds(sid * 8, GRP)], src_v)

        @pl.loop(0, nz)
        def _(z):
            pltpu.sync_copy(rows_v, acc_sh.at[src_v.at[z]])

        plsc.subcore_barrier()

        ones16 = jnp.full((L,), 1.0, jnp.float32)

        cbase = sid * NCHP + cid * NCH0
        ng = lax.select(cid == 0, NCH0 // GRP, NCH1 // GRP)

        HF = CHUNK // 2

        def start_gather(j, bufs, sems):
            buf, (s0, s1) = bufs[j % 2], sems[j % 2]
            e = j * CHUNK
            return (
                pltpu.async_copy(x_hbm.at[srcf_v.at[pl.ds(e, HF)]],
                                 buf.at[pl.ds(0, HF)], s0),
                pltpu.async_copy(x_hbm.at[srcf_v.at[pl.ds(e + HF, HF)]],
                                 buf.at[pl.ds(HF, HF)], s1),
            )

        @pl.loop(0, ng)
        def _(g):
            pltpu.sync_copy(dst_hbm.at[pl.ds(cbase + g * GRP, GRP)],
                            dst_v)
            pltpu.sync_copy(src1_hbm.at[pl.ds(cbase * CHUNK + g * EG, EG)],
                            srcf_v)
            pltpu.sync_copy(dst1_hbm.at[pl.ds(cbase * CHUNK + g * EG, EG)],
                            dstf_v)

            bufs = (rows_v, rows2_v)
            sems = ((sem_a0, sem_a1), (sem_b0, sem_b1))
            descs = [start_gather(0, bufs, sems)]
            for j in range(GRP):
                if j + 1 < GRP:
                    descs.append(start_gather(j + 1, bufs, sems))
                descs[j][0].wait()
                descs[j][1].wait()
                pltpu.sync_copy(bufs[j % 2], acc_sh.at[dst_v.at[j]],
                                add=True)

            @pl.loop(0, EG // L)
            def _(t):
                idx = dstf_v[pl.ds(t * L, L)]
                plsc.addupdate_scatter(cnt_v, [idx], ones16)

        plsc.subcore_barrier()

        pltpu.sync_copy(ridx_hbm.at[pl.ds(sid * 8, GRP)], src_v)

        @pl.loop(0, nz)
        def _(z):
            pltpu.sync_copy(acc_sh.at[src_v.at[z]], rows_v)
            pltpu.sync_copy(rows_v, sum_hbm.at[pl.ds(obase + z * CHUNK, CHUNK)])

        pltpu.sync_copy(cnt_v, cnt_hbm.at[pl.ds(wid * NPAD, NPAD)])

    return k(dst2d, src1d, dst1d, x, ridx, zsum, zcnt)


def _tc_body(x_ref, s0_ref, s1_ref, cw_ref, bt_ref,
             wl_ref, wr_ref, wres_ref, bl_ref, bres_ref,
             w1_ref, b1_ref, w2_ref, b2_ref,
             o_ref, ps_ref, gc_ref):
    i = pl.program_id(0)

    @pl.when(i == 0)
    def _():
        ps_ref[...] = jnp.zeros_like(ps_ref)
        gc_ref[...] = jnp.zeros_like(gc_ref)

    summed = s0_ref[...] + s1_ref[...]
    cnt = jnp.sum(cw_ref[...], axis=0)[:, None]
    neigh = summed / jnp.maximum(cnt, 1.0)
    h = lax.dot_general(neigh, wl_ref[...], (((1,), (1,)), ((), ())),
                        precision=_DOT)
    h += lax.dot_general(x_ref[...], wr_ref[...] + wres_ref[...],
                         (((1,), (1,)), ((), ())), precision=_DOT)
    h += bl_ref[...] + bres_ref[...]
    bt = bt_ref[0]
    onehot = (lax.broadcasted_iota(jnp.int32, (G, RB), 0) == bt
              ).astype(jnp.float32)
    ps_ref[...] += lax.dot_general(onehot, h, (((1,), (0,)), ((), ())),
                                   precision=_DOT)
    gc_ref[...] += jnp.broadcast_to(
        jnp.sum(onehot, axis=1, keepdims=True), (G, D))

    @pl.when(i == NB - 1)
    def _():
        pooled = ps_ref[...] / jnp.maximum(gc_ref[...], 1.0)
        z = lax.dot_general(pooled, w1_ref[...], (((1,), (1,)), ((), ())),
                            precision=_DOT) + b1_ref[...]
        z = jnp.maximum(z, 0.0)
        o_ref[...] = lax.dot_general(z, w2_ref[...], (((1,), (1,)), ((), ())),
                                     precision=_DOT) + b2_ref[...]


def _tc_dense(xp, sums, cntw, batch_p, W_l, b_l, W_r, W_res, b_res,
              W1, b1, W2, b2):
    return pl.pallas_call(
        _tc_body,
        grid=(NB,),
        in_specs=[
            pl.BlockSpec((RB, D), lambda i: (i, 0)),
            pl.BlockSpec((RB, D), lambda i: (i, 0)),
            pl.BlockSpec((RB, D), lambda i: (NB + i, 0)),
            pl.BlockSpec((NW, RB), lambda i: (0, i)),
            pl.BlockSpec((1, 1, RB), lambda i: (i, 0, 0)),
            pl.BlockSpec((H, D), lambda i: (0, 0)),
            pl.BlockSpec((H, D), lambda i: (0, 0)),
            pl.BlockSpec((H, D), lambda i: (0, 0)),
            pl.BlockSpec((1, D), lambda i: (0, 0)),
            pl.BlockSpec((1, D), lambda i: (0, 0)),
            pl.BlockSpec((HID, H), lambda i: (0, 0)),
            pl.BlockSpec((1, HID), lambda i: (0, 0)),
            pl.BlockSpec((OUT, HID), lambda i: (0, 0)),
            pl.BlockSpec((1, OUT), lambda i: (0, 0)),
        ],
        out_specs=pl.BlockSpec((G, OUT), lambda i: (0, 0)),
        out_shape=jax.ShapeDtypeStruct((G, OUT), jnp.float32),
        scratch_shapes=[
            pltpu.VMEM((G, D), jnp.float32),
            pltpu.VMEM((G, D), jnp.float32),
        ],
    )(xp, sums, sums, cntw, batch_p, W_l, W_r, W_res,
      b_l.reshape(1, D), b_res.reshape(1, D), W1, b1.reshape(1, HID),
      W2, b2.reshape(1, OUT))


def kernel(x, edge_index, batch, W_l, b_l, W_r, W_res, b_res, W1, b1, W2, b2):
    src = edge_index[0]
    dst = edge_index[1]
    pad_e = EPAD - E
    src1d = jnp.concatenate([src, jnp.zeros((pad_e,), jnp.int32)])
    dst1d = jnp.concatenate([dst, jnp.full((pad_e,), NPAD - 1, jnp.int32)])
    dst2d = dst1d.reshape(NS * NCHP, CHUNK)
    zsum = jnp.zeros((CHUNK, D), jnp.float32)
    zcnt = jnp.zeros((NPAD,), jnp.float32)
    sums, cnts = _sc_segment_sum(src1d, dst2d, dst1d, x, _row_index_list(),
                                 zsum, zcnt)

    xp = jnp.pad(x, ((0, NPAD - N), (0, 0)))
    batch_p = jnp.pad(batch, (0, NPAD - N),
                      constant_values=G).reshape(NB, 1, RB)
    return _tc_dense(xp, sums, cnts.reshape(NW, NPAD), batch_p,
                     W_l, b_l, W_r, W_res, b_res, W1, b1, W2, b2)

# --- scband reference (transcript-rebuilt; emitter-appended) ---
"""Pipeline reference for scband-sage-gnn-model-5927054868537 (READ-ONLY COPY).

The authoritative reference and input builder live on the scoring server;
editing this copy changes nothing except your own understanding.
"""

import jax, jax.numpy as jnp
import numpy as np

N = 10000       # nodes
E = 320000      # edges
D = 128         # in_channels
H = 128         # out_channels
G = 64          # graphs in batch
HID = 128       # predictor hidden
OUT = 2         # len(loss_weights)


def setup_inputs(seed: int = 0) -> dict:
    key = jax.random.key(seed)
    ks = jax.random.split(key, 12)
    s_d = 1.0 / np.sqrt(D)
    s_h = 1.0 / np.sqrt(H)
    return {
        "x": jax.random.normal(ks[0], (N, D), dtype=jnp.float32),
        "edge_index": jax.random.randint(ks[1], (2, E), 0, N, dtype=jnp.int32),
        "batch": jnp.sort(jax.random.randint(ks[2], (N,), 0, G, dtype=jnp.int32)),
        # SAGEConv params: lin_l (neighbor, with bias), lin_r (root, no bias)
        "W_l": jax.random.normal(ks[3], (H, D), dtype=jnp.float32) * s_d,
        "b_l": jnp.zeros((H,), dtype=jnp.float32),
        "W_r": jax.random.normal(ks[4], (H, D), dtype=jnp.float32) * s_d,
        # residual linear
        "W_res": jax.random.normal(ks[5], (H, D), dtype=jnp.float32) * s_d,
        "b_res": jnp.zeros((H,), dtype=jnp.float32),
        # predictor (2 layers)
        "W1": jax.random.normal(ks[6], (HID, H), dtype=jnp.float32) * s_h,
        "b1": jnp.zeros((HID,), dtype=jnp.float32),
        "W2": jax.random.normal(ks[7], (OUT, HID), dtype=jnp.float32) * (1.0 / np.sqrt(HID)),
        "b2": jnp.zeros((OUT,), dtype=jnp.float32),
    }


def reference(x, edge_index, batch, W_l, b_l, W_r, W_res, b_res, W1, b1, W2, b2):
    src = edge_index[0]
    dst = edge_index[1]
    # SAGEConv with mean aggregation: out = lin_l(mean_{j in N(i)} x_j) + lin_r(x_i)
    msgs = jnp.take(x, src, axis=0)                                   # gather [E, D]
    summed = jax.ops.segment_sum(msgs, dst, num_segments=N)           # scatter-add [N, D]
    cnt = jax.ops.segment_sum(jnp.ones((E,), dtype=x.dtype), dst, num_segments=N)
    neigh = summed / jnp.clip(cnt, 1.0)[:, None]
    h = neigh @ W_l.T + b_l + x @ W_r.T
    # dropout p=0 in eval -> identity; no batch norm
    # residual connection
    h = h + (x @ W_res.T + b_res)
    # global mean pool over graphs in batch
    psum = jax.ops.segment_sum(h, batch, num_segments=G)
    gcnt = jax.ops.segment_sum(jnp.ones((N,), dtype=h.dtype), batch, num_segments=G)
    pooled = psum / jnp.clip(gcnt, 1.0)[:, None]
    # 2-layer predictor with ReLU between
    z = jax.nn.relu(pooled @ W1.T + b1)
    out = z @ W2.T + b2
    return out

if __name__ == "__main__":
    import jax
    _d = setup_inputs()
    print(jax.jit(kernel)(*tuple(_d.values())))

</pallas_src>

<mosaic_0001>
#map = affine_map<(d0, d1) -> (0, 0)>
#map1 = affine_map<(d0, d1) -> (0)>
module attributes {stable_mosaic.version = 14 : i64} {
  func.func @k(%arg0: i32, %arg1: i32, %arg2: memref<2560x128xi32, #tpu.memory_space<hbm>>, %arg3: memref<327680xi32, #tpu.memory_space<hbm>>, %arg4: memref<327680xi32, #tpu.memory_space<hbm>>, %arg5: memref<10000x128xf32, #tpu.memory_space<hbm>>, %arg6: memref<128x128xi32, #tpu.memory_space<hbm>>, %arg7: memref<128x128xf32, #tpu.memory_space<hbm>>, %arg8: memref<10240xf32, #tpu.memory_space<hbm>>, %arg9: memref<20480x128xf32, #tpu.memory_space<hbm>>, %arg10: memref<327680xf32, #tpu.memory_space<hbm>>, %arg11: memref<8x128xi32, #tpu.memory_space<vmem>>, %arg12: memref<8x128xi32, #tpu.memory_space<vmem>>, %arg13: memref<1024xi32, #tpu.memory_space<vmem>>, %arg14: memref<1024xi32, #tpu.memory_space<vmem>>, %arg15: memref<128x128xf32, #tpu.memory_space<vmem>>, %arg16: memref<128x128xf32, #tpu.memory_space<vmem>>, %arg17: memref<10240xf32, #tpu.memory_space<vmem>>, %arg18: memref<10240x128xf32, #tpu.memory_space<vmem_shared>>, %arg19: memref<!tpu.dma_semaphore, #tpu.memory_space<semaphore_mem>>, %arg20: memref<!tpu.dma_semaphore, #tpu.memory_space<semaphore_mem>>, %arg21: memref<!tpu.dma_semaphore, #tpu.memory_space<semaphore_mem>>, %arg22: memref<!tpu.dma_semaphore, #tpu.memory_space<semaphore_mem>>) attributes {dimension_semantics = [#tpu.dimension_semantics<core_parallel>, #tpu.dimension_semantics<subcore_parallel>], iteration_bounds = array<i64: 2, 16>, scalar_prefetch = 0 : i64, scratch_operands = 12 : i64, tpu.core_type = #tpu.core_type<sc_vector_subcore>, window_params = [{transform_indices = #map}, {transform_indices = #map1}, {transform_indices = #map1}, {transform_indices = #map}, {transform_indices = #map}, {transform_indices = #map}, {transform_indices = #map1}, {transform_indices = #map}, {transform_indices = #map1}]} {
    %mul3A = arith.constant 2 : i32
    %mul3A_0 = arith.muli %arg1, %mul3A : i32
    %add3A = arith.addi %mul3A_0, %arg0 : i32
    %mul3A_1 = arith.constant 10240 : i32
    %mul3A_2 = arith.muli %arg0, %mul3A_1 : i32
    %mul3A_3 = arith.constant 640 : i32
    %mul3A_4 = arith.muli %arg1, %mul3A_3 : i32
    %add3A_5 = arith.addi %mul3A_2, %mul3A_4 : i32
    "tpu.region"() ({
      %run_scoped3A = tpu.sem_alloc : memref<!tpu.dma_semaphore, #tpu.memory_space<semaphore_mem>>
      tpu.enqueue_dma source(%arg7 : memref<128x128xf32, #tpu.memory_space<hbm>>) target(%arg15 : memref<128x128xf32, #tpu.memory_space<vmem>>) target_semaphore(%run_scoped3A : memref<!tpu.dma_semaphore, #tpu.memory_space<semaphore_mem>>)
      tpu.wait_dma2 semaphore(%run_scoped3A : memref<!tpu.dma_semaphore, #tpu.memory_space<semaphore_mem>>) src(%arg7 : memref<128x128xf32, #tpu.memory_space<hbm>>) dst(%arg15 : memref<128x128xf32, #tpu.memory_space<vmem>>)
      tpu.yield
    }) : () -> ()
    "tpu.region"() ({
      %run_scoped3A = tpu.sem_alloc : memref<!tpu.dma_semaphore, #tpu.memory_space<semaphore_mem>>
      tpu.enqueue_dma source(%arg8 : memref<10240xf32, #tpu.memory_space<hbm>>) target(%arg17 : memref<10240xf32, #tpu.memory_space<vmem>>) target_semaphore(%run_scoped3A : memref<!tpu.dma_semaphore, #tpu.memory_space<semaphore_mem>>)
      tpu.wait_dma2 semaphore(%run_scoped3A : memref<!tpu.dma_semaphore, #tpu.memory_space<semaphore_mem>>) src(%arg8 : memref<10240xf32, #tpu.memory_space<hbm>>) dst(%arg17 : memref<10240xf32, #tpu.memory_space<vmem>>)
      tpu.yield
    }) : () -> ()
    %mul3A_6 = arith.constant 8 : i32
    %mul3A_7 = arith.muli %arg1, %mul3A_6 : i32
    "tpu.region"() ({
      %run_scoped3A = tpu.sem_alloc : memref<!tpu.dma_semaphore, #tpu.memory_space<semaphore_mem>>
      %dma_start3A = arith.constant 0 : i32
      %dma_start3A_47 = tpu.memref_slice %arg6[%mul3A_7, %dma_start3A] : memref<128x128xi32, #tpu.memory_space<hbm>> -> memref<8x128xi32, #tpu.memory_space<hbm>>
      %dma_start3A_48 = arith.constant 0 : i32
      %dma_start3A_49 = tpu.memref_slice %arg6[%mul3A_7, %dma_start3A_48] : memref<128x128xi32, #tpu.memory_space<hbm>> -> memref<8x128xi32, #tpu.memory_space<hbm>>
      tpu.enqueue_dma source(%dma_start3A_49 : memref<8x128xi32, #tpu.memory_space<hbm>>) target(%arg11 : memref<8x128xi32, #tpu.memory_space<vmem>>) target_semaphore(%run_scoped3A : memref<!tpu.dma_semaphore, #tpu.memory_space<semaphore_mem>>)
      %dma_wait3A = arith.constant 0 : i32
      %dma_wait3A_50 = tpu.memref_slice %arg6[%mul3A_7, %dma_wait3A] : memref<128x128xi32, #tpu.memory_space<hbm>> -> memref<8x128xi32, #tpu.memory_space<hbm>>
      %dma_wait3A_51 = arith.constant 0 : i32
      %dma_wait3A_52 = tpu.memref_slice %arg6[%mul3A_7, %dma_wait3A_51] : memref<128x128xi32, #tpu.memory_space<hbm>> -> memref<8x128xi32, #tpu.memory_space<hbm>>
      tpu.wait_dma2 semaphore(%run_scoped3A : memref<!tpu.dma_semaphore, #tpu.memory_space<semaphore_mem>>) src(%dma_wait3A_52 : memref<8x128xi32, #tpu.memory_space<hbm>>) dst(%arg11 : memref<8x128xi32, #tpu.memory_space<vmem>>)
      tpu.yield
    }) : () -> ()
    %scan3A = arith.constant 0 : i32
    %scan3A_8 = arith.constant 5 : i32
    %scan3A_9 = arith.addi %scan3A, %scan3A_8 : i32
    %scan3A_10 = arith.constant 1 : i32
    scf.for %scan3A_47 = %scan3A to %scan3A_9 step %scan3A_10  : i32 {
      %mul3A_48 = arith.constant 1 : i32
      %mul3A_49 = arith.muli %scan3A_47, %mul3A_48 : i32
      %add3A_50 = arith.constant 0 : i32
      %add3A_51 = arith.addi %add3A_50, %mul3A_49 : i32
      "tpu.region"() ({
        %run_scoped3A = tpu.sem_alloc : memref<!tpu.dma_semaphore, #tpu.memory_space<semaphore_mem>>
        %dma_start3A = arith.constant 0 : i32
        %dma_start3A_52 = tpu.memref_slice %arg11[%add3A_51, %dma_start3A] : memref<8x128xi32, #tpu.memory_space<vmem>> -> memref<1x128xi32, #tpu.memory_space<vmem>>
        %dma_start3A_53 = tpu.memref_squeeze %dma_start3A_52 : memref<1x128xi32, #tpu.memory_space<vmem>> -> memref<128xi32, #tpu.memory_space<vmem>>
        %dma_start3A_54 = arith.constant 0 : i32
        %dma_start3A_55 = arith.constant 0 : i32
        %dma_start3A_56 = tpu.memref_slice %arg18[%dma_start3A_54, %dma_start3A_55] : memref<10240x128xf32, #tpu.memory_space<vmem_shared>> -> memref<10240x128xf32, #tpu.memory_space<vmem_shared>>
        tpu.enqueue_indirect_dma source(%arg15 : memref<128x128xf32, #tpu.memory_space<vmem>>) target(%dma_start3A_56 : memref<10240x128xf32, #tpu.memory_space<vmem_shared>>) offsets(%dma_start3A_53 : memref<128xi32, #tpu.memory_space<vmem>>) semaphore(%run_scoped3A : memref<!tpu.dma_semaphore, #tpu.memory_space<semaphore_mem>>)
        %dma_wait3A = arith.constant 0 : i32
        %dma_wait3A_57 = tpu.memref_slice %arg11[%add3A_51, %dma_wait3A] : memref<8x128xi32, #tpu.memory_space<vmem>> -> memref<1x128xi32, #tpu.memory_space<vmem>>
        %dma_wait3A_58 = tpu.memref_squeeze %dma_wait3A_57 : memref<1x128xi32, #tpu.memory_space<vmem>> -> memref<128xi32, #tpu.memory_space<vmem>>
        %dma_wait3A_59 = arith.constant 0 : i32
        %dma_wait3A_60 = arith.constant 0 : i32
        %dma_wait3A_61 = tpu.memref_slice %arg18[%dma_wait3A_59, %dma_wait3A_60] : memref<10240x128xf32, #tpu.memory_space<vmem_shared>> -> memref<10240x128xf32, #tpu.memory_space<vmem_shared>>
        tpu.wait_indirect_dma semaphore(%run_scoped3A : memref<!tpu.dma_semaphore, #tpu.memory_space<semaphore_mem>>) src(%arg15 : memref<128x128xf32, #tpu.memory_space<vmem>>) dst(%dma_wait3A_61 : memref<10240x128xf32, #tpu.memory_space<vmem_shared>>)
        tpu.yield
      }) : () -> ()
    }
    %scan3A_11 = arith.constant 5 : i32
    %barrier3A = arith.constant 0 : index
    tpu.barrier barrier_id(%barrier3A)
    %broadcast_in_dim3A = arith.constant 1.000000e+00 : f32
    %broadcast_in_dim3A_12 = vector.broadcast %broadcast_in_dim3A : f32 to vector<16xf32>
    %mul3A_13 = arith.constant 160 : i32
    %mul3A_14 = arith.muli %arg1, %mul3A_13 : i32
    %mul3A_15 = arith.constant 120 : i32
    %mul3A_16 = arith.muli %arg0, %mul3A_15 : i32
    %add3A_17 = arith.addi %mul3A_14, %mul3A_16 : i32
    %eq3A = arith.constant 0 : i32
    %eq3A_18 = arith.cmpi eq, %arg0, %eq3A : i32
    %select_n3A = arith.constant 5 : i32
    %select_n3A_19 = arith.constant 15 : i32
    %select_n3A_20 = arith.select %eq3A_18, %select_n3A_19, %select_n3A : i32
    %sub3A = arith.constant 0 : i32
    %sub3A_21 = arith.subi %select_n3A_20, %sub3A : i32
    %sub3A_22 = arith.constant 1 : i32
    %sub3A_23 = arith.constant 1 : i32
    %sub3A_24 = arith.subi %sub3A_22, %sub3A_23 : i32
    %add3A_25 = arith.addi %sub3A_21, %sub3A_24 : i32
    %div3A = arith.constant 1 : i32
    %div3A_26 = arith.divsi %add3A_25, %div3A : i32
    %while3A = arith.constant 1 : i32
    %while3A_27 = arith.constant 0 : i32
    %while3A_28 = arith.constant 0 : i32
    %while3A_29 = arith.subi %div3A_26, %while3A_28 : i32
    %while3A_30 = arith.addi %while3A_28, %while3A_29 : i32
    %while3A_31 = arith.constant 1 : i32
    %while3A_32 = arith.divsi %while3A_29, %while3A_31 : i32
    %while3A_33 = arith.muli %while3A_32, %while3A_31 : i32
    %while3A_34 = arith.addi %while3A_28, %while3A_33 : i32
    %while3A_35 = arith.constant 1 : i32
    scf.for %while3A_47 = %while3A_28 to %while3A_34 step %while3A_35  : i32 {
      %mul3A_48 = arith.muli %while3A_47, %while3A : i32
      %add3A_49 = arith.addi %while3A_27, %mul3A_48 : i32
      %mul3A_50 = arith.constant 8 : i32
      %mul3A_51 = arith.muli %add3A_49, %mul3A_50 : i32
      %add3A_52 = arith.addi %add3A_17, %mul3A_51 : i32
      "tpu.region"() ({
        %run_scoped3A_329 = tpu.sem_alloc : memref<!tpu.dma_semaphore, #tpu.memory_space<semaphore_mem>>
        %dma_start3A_330 = arith.constant 0 : i32
        %dma_start3A_331 = tpu.memref_slice %arg2[%add3A_52, %dma_start3A_330] : memref<2560x128xi32, #tpu.memory_space<hbm>> -> memref<8x128xi32, #tpu.memory_space<hbm>>
        %dma_start3A_332 = arith.constant 0 : i32
        %dma_start3A_333 = tpu.memref_slice %arg2[%add3A_52, %dma_start3A_332] : memref<2560x128xi32, #tpu.memory_space<hbm>> -> memref<8x128xi32, #tpu.memory_space<hbm>>
        tpu.enqueue_dma source(%dma_start3A_333 : memref<8x128xi32, #tpu.memory_space<hbm>>) target(%arg12 : memref<8x128xi32, #tpu.memory_space<vmem>>) target_semaphore(%run_scoped3A_329 : memref<!tpu.dma_semaphore, #tpu.memory_space<semaphore_mem>>)
        %dma_wait3A_334 = arith.constant 0 : i32
        %dma_wait3A_335 = tpu.memref_slice %arg2[%add3A_52, %dma_wait3A_334] : memref<2560x128xi32, #tpu.memory_space<hbm>> -> memref<8x128xi32, #tpu.memory_space<hbm>>
        %dma_wait3A_336 = arith.constant 0 : i32
        %dma_wait3A_337 = tpu.memref_slice %arg2[%add3A_52, %dma_wait3A_336] : memref<2560x128xi32, #tpu.memory_space<hbm>> -> memref<8x128xi32, #tpu.memory_space<hbm>>
        tpu.wait_dma2 semaphore(%run_scoped3A_329 : memref<!tpu.dma_semaphore, #tpu.memory_space<semaphore_mem>>) src(%dma_wait3A_337 : memref<8x128xi32, #tpu.memory_space<hbm>>) dst(%arg12 : memref<8x128xi32, #tpu.memory_space<vmem>>)
        tpu.yield
      }) : () -> ()
      %mul3A_53 = arith.constant 128 : i32
      %mul3A_54 = arith.muli %add3A_17, %mul3A_53 : i32
      %mul3A_55 = arith.constant 1024 : i32
      %mul3A_56 = arith.muli %add3A_49, %mul3A_55 : i32
      %add3A_57 = arith.addi %mul3A_54, %mul3A_56 : i32
      "tpu.region"() ({
        %run_scoped3A_329 = tpu.sem_alloc : memref<!tpu.dma_semaphore, #tpu.memory_space<semaphore_mem>>
        %dma_start3A_330 = tpu.memref_slice %arg3[%add3A_57] : memref<327680xi32, #tpu.memory_space<hbm>> -> memref<1024xi32, #tpu.memory_space<hbm>>
        %dma_start3A_331 = tpu.memref_slice %arg3[%add3A_57] : memref<327680xi32, #tpu.memory_space<hbm>> -> memref<1024xi32, #tpu.memory_space<hbm>>
        tpu.enqueue_dma source(%dma_start3A_331 : memref<1024xi32, #tpu.memory_space<hbm>>) target(%arg13 : memref<1024xi32, #tpu.memory_space<vmem>>) target_semaphore(%run_scoped3A_329 : memref<!tpu.dma_semaphore, #tpu.memory_space<semaphore_mem>>)
        %dma_wait3A_332 = tpu.memref_slice %arg3[%add3A_57] : memref<327680xi32, #tpu.memory_space<hbm>> -> memref<1024xi32, #tpu.memory_space<hbm>>
        %dma_wait3A_333 = tpu.memref_slice %arg3[%add3A_57] : memref<327680xi32, #tpu.memory_space<hbm>> -> memref<1024xi32, #tpu.memory_space<hbm>>
        tpu.wait_dma2 semaphore(%run_scoped3A_329 : memref<!tpu.dma_semaphore, #tpu.memory_space<semaphore_mem>>) src(%dma_wait3A_333 : memref<1024xi32, #tpu.memory_space<hbm>>) dst(%arg13 : memref<1024xi32, #tpu.memory_space<vmem>>)
        tpu.yield
      }) : () -> ()
      %mul3A_58 = arith.constant 128 : i32
      %mul3A_59 = arith.muli %add3A_17, %mul3A_58 : i32
      %mul3A_60 = arith.constant 1024 : i32
      %mul3A_61 = arith.muli %add3A_49, %mul3A_60 : i32
      %add3A_62 = arith.addi %mul3A_59, %mul3A_61 : i32
      "tpu.region"() ({
        %run_scoped3A_329 = tpu.sem_alloc : memref<!tpu.dma_semaphore, #tpu.memory_space<semaphore_mem>>
        %dma_start3A_330 = tpu.memref_slice %arg4[%add3A_62] : memref<327680xi32, #tpu.memory_space<hbm>> -> memref<1024xi32, #tpu.memory_space<hbm>>
        %dma_start3A_331 = tpu.memref_slice %arg4[%add3A_62] : memref<327680xi32, #tpu.memory_space<hbm>> -> memref<1024xi32, #tpu.memory_space<hbm>>
        tpu.enqueue_dma source(%dma_start3A_331 : memref<1024xi32, #tpu.memory_space<hbm>>) target(%arg14 : memref<1024xi32, #tpu.memory_space<vmem>>) target_semaphore(%run_scoped3A_329 : memref<!tpu.dma_semaphore, #tpu.memory_space<semaphore_mem>>)
        %dma_wait3A_332 = tpu.memref_slice %arg4[%add3A_62] : memref<327680xi32, #tpu.memory_space<hbm>> -> memref<1024xi32, #tpu.memory_space<hbm>>
        %dma_wait3A_333 = tpu.memref_slice %arg4[%add3A_62] : memref<327680xi32, #tpu.memory_space<hbm>> -> memref<1024xi32, #tpu.memory_space<hbm>>
        tpu.wait_dma2 semaphore(%run_scoped3A_329 : memref<!tpu.dma_semaphore, #tpu.memory_space<semaphore_mem>>) src(%dma_wait3A_333 : memref<1024xi32, #tpu.memory_space<hbm>>) dst(%arg14 : memref<1024xi32, #tpu.memory_space<vmem>>)
        tpu.yield
      }) : () -> ()
      %dma_start3A = arith.constant 0 : i32
      %dma_start3A_63 = arith.constant 0 : i32
      %dma_start3A_64 = tpu.memref_slice %arg15[%dma_start3A, %dma_start3A_63] : memref<128x128xf32, #tpu.memory_space<vmem>> -> memref<64x128xf32, #tpu.memory_space<vmem>>
      %dma_start3A_65 = arith.constant 0 : i32
      %dma_start3A_66 = tpu.memref_slice %arg13[%dma_start3A_65] : memref<1024xi32, #tpu.memory_space<vmem>> -> memref<64xi32, #tpu.memory_space<vmem>>
      %dma_start3A_67 = arith.constant 0 : i32
      %dma_start3A_68 = arith.constant 0 : i32
      %dma_start3A_69 = tpu.memref_slice %arg5[%dma_start3A_67, %dma_start3A_68] : memref<10000x128xf32, #tpu.memory_space<hbm>> -> memref<10000x128xf32, #tpu.memory_space<hbm>>
      tpu.enqueue_indirect_dma source(%dma_start3A_69 : memref<10000x128xf32, #tpu.memory_space<hbm>>) target(%dma_start3A_64 : memref<64x128xf32, #tpu.memory_space<vmem>>) offsets(%dma_start3A_66 : memref<64xi32, #tpu.memory_space<vmem>>) semaphore(%arg19 : memref<!tpu.dma_semaphore, #tpu.memory_space<semaphore_mem>>)
      %dma_start3A_70 = arith.constant 64 : i32
      %dma_start3A_71 = arith.constant 0 : i32
      %dma_start3A_72 = tpu.memref_slice %arg15[%dma_start3A_70, %dma_start3A_71] : memref<128x128xf32, #tpu.memory_space<vmem>> -> memref<64x128xf32, #tpu.memory_space<vmem>>
      %dma_start3A_73 = arith.constant 64 : i32
      %dma_start3A_74 = tpu.memref_slice %arg13[%dma_start3A_73] : memref<1024xi32, #tpu.memory_space<vmem>> -> memref<64xi32, #tpu.memory_space<vmem>>
      %dma_start3A_75 = arith.constant 0 : i32
      %dma_start3A_76 = arith.constant 0 : i32
      %dma_start3A_77 = tpu.memref_slice %arg5[%dma_start3A_75, %dma_start3A_76] : memref<10000x128xf32, #tpu.memory_space<hbm>> -> memref<10000x128xf32, #tpu.memory_space<hbm>>
      tpu.enqueue_indirect_dma source(%dma_start3A_77 : memref<10000x128xf32, #tpu.memory_space<hbm>>) target(%dma_start3A_72 : memref<64x128xf32, #tpu.memory_space<vmem>>) offsets(%dma_start3A_74 : memref<64xi32, #tpu.memory_space<vmem>>) semaphore(%arg20 : memref<!tpu.dma_semaphore, #tpu.memory_space<semaphore_mem>>)
      %dma_start3A_78 = arith.constant 0 : i32
      %dma_start3A_79 = arith.constant 0 : i32
      %dma_start3A_80 = tpu.memref_slice %arg16[%dma_start3A_78, %dma_start3A_79] : memref<128x128xf32, #tpu.memory_space<vmem>> -> memref<64x128xf32, #tpu.memory_space<vmem>>
      %dma_start3A_81 = arith.constant 128 : i32
      %dma_start3A_82 = tpu.memref_slice %arg13[%dma_start3A_81] : memref<1024xi32, #tpu.memory_space<vmem>> -> memref<64xi32, #tpu.memory_space<vmem>>
      %dma_start3A_83 = arith.constant 0 : i32
      %dma_start3A_84 = arith.constant 0 : i32
      %dma_start3A_85 = tpu.memref_slice %arg5[%dma_start3A_83, %dma_start3A_84] : memref<10000x128xf32, #tpu.memory_space<hbm>> -> memref<10000x128xf32, #tpu.memory_space<hbm>>
      tpu.enqueue_indirect_dma source(%dma_start3A_85 : memref<10000x128xf32, #tpu.memory_space<hbm>>) target(%dma_start3A_80 : memref<64x128xf32, #tpu.memory_space<vmem>>) offsets(%dma_start3A_82 : memref<64xi32, #tpu.memory_space<vmem>>) semaphore(%arg21 : memref<!tpu.dma_semaphore, #tpu.memory_space<semaphore_mem>>)
      %dma_start3A_86 = arith.constant 64 : i32
      %dma_start3A_87 = arith.constant 0 : i32
      %dma_start3A_88 = tpu.memref_slice %arg16[%dma_start3A_86, %dma_start3A_87] : memref<128x128xf32, #tpu.memory_space<vmem>> -> memref<64x128xf32, #tpu.memory_space<vmem>>
      %dma_start3A_89 = arith.constant 192 : i32
      %dma_start3A_90 = tpu.memref_slice %arg13[%dma_start3A_89] : memref<1024xi32, #tpu.memory_space<vmem>> -> memref<64xi32, #tpu.memory_space<vmem>>
      %dma_start3A_91 = arith.constant 0 : i32
      %dma_start3A_92 = arith.constant 0 : i32
      %dma_start3A_93 = tpu.memref_slice %arg5[%dma_start3A_91, %dma_start3A_92] : memref<10000x128xf32, #tpu.memory_space<hbm>> -> memref<10000x128xf32, #tpu.memory_space<hbm>>
      tpu.enqueue_indirect_dma source(%dma_start3A_93 : memref<10000x128xf32, #tpu.memory_space<hbm>>) target(%dma_start3A_88 : memref<64x128xf32, #tpu.memory_space<vmem>>) offsets(%dma_start3A_90 : memref<64xi32, #tpu.memory_space<vmem>>) semaphore(%arg22 : memref<!tpu.dma_semaphore, #tpu.memory_space<semaphore_mem>>)
      %dma_wait3A = arith.constant 0 : i32
      %dma_wait3A_94 = arith.constant 0 : i32
      %dma_wait3A_95 = tpu.memref_slice %arg15[%dma_wait3A, %dma_wait3A_94] : memref<128x128xf32, #tpu.memory_space<vmem>> -> memref<64x128xf32, #tpu.memory_space<vmem>>
      %dma_wait3A_96 = arith.constant 0 : i32
      %dma_wait3A_97 = tpu.memref_slice %arg13[%dma_wait3A_96] : memref<1024xi32, #tpu.memory_space<vmem>> -> memref<64xi32, #tpu.memory_space<vmem>>
      %dma_wait3A_98 = arith.constant 0 : i32
      %dma_wait3A_99 = arith.constant 0 : i32
      %dma_wait3A_100 = tpu.memref_slice %arg5[%dma_wait3A_98, %dma_wait3A_99] : memref<10000x128xf32, #tpu.memory_space<hbm>> -> memref<10000x128xf32, #tpu.memory_space<hbm>>
      tpu.wait_indirect_dma semaphore(%arg19 : memref<!tpu.dma_semaphore, #tpu.memory_space<semaphore_mem>>) src(%dma_wait3A_100 : memref<10000x128xf32, #tpu.memory_space<hbm>>) dst(%dma_wait3A_95 : memref<64x128xf32, #tpu.memory_space<vmem>>)
      %dma_wait3A_101 = arith.constant 64 : i32
      %dma_wait3A_102 = arith.constant 0 : i32
      %dma_wait3A_103 = tpu.memref_slice %arg15[%dma_wait3A_101, %dma_wait3A_102] : memref<128x128xf32, #tpu.memory_space<vmem>> -> memref<64x128xf32, #tpu.memory_space<vmem>>
      %dma_wait3A_104 = arith.constant 64 : i32
      %dma_wait3A_105 = tpu.memref_slice %arg13[%dma_wait3A_104] : memref<1024xi32, #tpu.memory_space<vmem>> -> memref<64xi32, #tpu.memory_space<vmem>>
      %dma_wait3A_106 = arith.constant 0 : i32
      %dma_wait3A_107 = arith.constant 0 : i32
      %dma_wait3A_108 = tpu.memref_slice %arg5[%dma_wait3A_106, %dma_wait3A_107] : memref<10000x128xf32, #tpu.memory_space<hbm>> -> memref<10000x128xf32, #tpu.memory_space<hbm>>
      tpu.wait_indirect_dma semaphore(%arg20 : memref<!tpu.dma_semaphore, #tpu.memory_space<semaphore_mem>>) src(%dma_wait3A_108 : memref<10000x128xf32, #tpu.memory_space<hbm>>) dst(%dma_wait3A_103 : memref<64x128xf32, #tpu.memory_space<vmem>>)
      %run_scoped3A = arith.constant 0 : i32
      "tpu.region"() ({
        %run_scoped3A_329 = tpu.sem_alloc : memref<!tpu.dma_semaphore, #tpu.memory_space<semaphore_mem>>
        %dma_start3A_330 = arith.constant 0 : i32
        %dma_start3A_331 = tpu.memref_slice %arg12[%run_scoped3A, %dma_start3A_330] : memref<8x128xi32, #tpu.memory_space<vmem>> -> memref<1x128xi32, #tpu.memory_space<vmem>>
        %dma_start3A_332 = tpu.memref_squeeze %dma_start3A_331 : memref<1x128xi32, #tpu.memory_space<vmem>> -> memref<128xi32, #tpu.memory_space<vmem>>
        %dma_start3A_333 = arith.constant 0 : i32
        %dma_start3A_334 = arith.constant 0 : i32
        %dma_start3A_335 = tpu.memref_slice %arg18[%dma_start3A_333, %dma_start3A_334] : memref<10240x128xf32, #tpu.memory_space<vmem_shared>> -> memref<10240x128xf32, #tpu.memory_space<vmem_shared>>
        tpu.enqueue_indirect_dma source(%arg15 : memref<128x128xf32, #tpu.memory_space<vmem>>) target(%dma_start3A_335 : memref<10240x128xf32, #tpu.memory_space<vmem_shared>>) offsets(%dma_start3A_332 : memref<128xi32, #tpu.memory_space<vmem>>) semaphore(%run_scoped3A_329 : memref<!tpu.dma_semaphore, #tpu.memory_space<semaphore_mem>>) {add = true}
        %dma_wait3A_336 = arith.constant 0 : i32
        %dma_wait3A_337 = tpu.memref_slice %arg12[%run_scoped3A, %dma_wait3A_336] : memref<8x128xi32, #tpu.memory_space<vmem>> -> memref<1x128xi32, #tpu.memory_space<vmem>>
        %dma_wait3A_338 = tpu.memref_squeeze %dma_wait3A_337 : memref<1x128xi32, #tpu.memory_space<vmem>> -> memref<128xi32, #tpu.memory_space<vmem>>
        %dma_wait3A_339 = arith.constant 0 : i32
        %dma_wait3A_340 = arith.constant 0 : i32
        %dma_wait3A_341 = tpu.memref_slice %arg18[%dma_wait3A_339, %dma_wait3A_340] : memref<10240x128xf32, #tpu.memory_space<vmem_shared>> -> memref<10240x128xf32, #tpu.memory_space<vmem_shared>>
        tpu.wait_indirect_dma semaphore(%run_scoped3A_329 : memref<!tpu.dma_semaphore, #tpu.memory_space<semaphore_mem>>) src(%arg15 : memref<128x128xf32, #tpu.memory_space<vmem>>) dst(%dma_wait3A_341 : memref<10240x128xf32, #tpu.memory_space<vmem_shared>>)
        tpu.yield
      }) : () -> ()
      %dma_start3A_109 = arith.constant 0 : i32
      %dma_start3A_110 = arith.constant 0 : i32
      %dma_start3A_111 = tpu.memref_slice %arg15[%dma_start3A_109, %dma_start3A_110] : memref<128x128xf32, #tpu.memory_space<vmem>> -> memref<64x128xf32, #tpu.memory_space<vmem>>
      %dma_start3A_112 = arith.constant 256 : i32
      %dma_start3A_113 = tpu.memref_slice %arg13[%dma_start3A_112] : memref<1024xi32, #tpu.memory_space<vmem>> -> memref<64xi32, #tpu.memory_space<vmem>>
      %dma_start3A_114 = arith.constant 0 : i32
      %dma_start3A_115 = arith.constant 0 : i32
      %dma_start3A_116 = tpu.memref_slice %arg5[%dma_start3A_114, %dma_start3A_115] : memref<10000x128xf32, #tpu.memory_space<hbm>> -> memref<10000x128xf32, #tpu.memory_space<hbm>>
      tpu.enqueue_indirect_dma source(%dma_start3A_116 : memref<10000x128xf32, #tpu.memory_space<hbm>>) target(%dma_start3A_111 : memref<64x128xf32, #tpu.memory_space<vmem>>) offsets(%dma_start3A_113 : memref<64xi32, #tpu.memory_space<vmem>>) semaphore(%arg19 : memref<!tpu.dma_semaphore, #tpu.memory_space<semaphore_mem>>)
      %dma_start3A_117 = arith.constant 64 : i32
      %dma_start3A_118 = arith.constant 0 : i32
      %dma_start3A_119 = tpu.memref_slice %arg15[%dma_start3A_117, %dma_start3A_118] : memref<128x128xf32, #tpu.memory_space<vmem>> -> memref<64x128xf32, #tpu.memory_space<vmem>>
      %dma_start3A_120 = arith.constant 320 : i32
      %dma_start3A_121 = tpu.memref_slice %arg13[%dma_start3A_120] : memref<1024xi32, #tpu.memory_space<vmem>> -> memref<64xi32, #tpu.memory_space<vmem>>
      %dma_start3A_122 = arith.constant 0 : i32
      %dma_start3A_123 = arith.constant 0 : i32
      %dma_start3A_124 = tpu.memref_slice %arg5[%dma_start3A_122, %dma_start3A_123] : memref<10000x128xf32, #tpu.memory_space<hbm>> -> memref<10000x128xf32, #tpu.memory_space<hbm>>
      tpu.enqueue_indirect_dma source(%dma_start3A_124 : memref<10000x128xf32, #tpu.memory_space<hbm>>) target(%dma_start3A_119 : memref<64x128xf32, #tpu.memory_space<vmem>>) offsets(%dma_start3A_121 : memref<64xi32, #tpu.memory_space<vmem>>) semaphore(%arg20 : memref<!tpu.dma_semaphore, #tpu.memory_space<semaphore_mem>>)
      %dma_wait3A_125 = arith.constant 0 : i32
      %dma_wait3A_126 = arith.constant 0 : i32
      %dma_wait3A_127 = tpu.memref_slice %arg16[%dma_wait3A_125, %dma_wait3A_126] : memref<128x128xf32, #tpu.memory_space<vmem>> -> memref<64x128xf32, #tpu.memory_space<vmem>>
      %dma_wait3A_128 = arith.constant 128 : i32
      %dma_wait3A_129 = tpu.memref_slice %arg13[%dma_wait3A_128] : memref<1024xi32, #tpu.memory_space<vmem>> -> memref<64xi32, #tpu.memory_space<vmem>>
      %dma_wait3A_130 = arith.constant 0 : i32
      %dma_wait3A_131 = arith.constant 0 : i32
      %dma_wait3A_132 = tpu.memref_slice %arg5[%dma_wait3A_130, %dma_wait3A_131] : memref<10000x128xf32, #tpu.memory_space<hbm>> -> memref<10000x128xf32, #tpu.memory_space<hbm>>
      tpu.wait_indirect_dma semaphore(%arg21 : memref<!tpu.dma_semaphore, #tpu.memory_space<semaphore_mem>>) src(%dma_wait3A_132 : memref<10000x128xf32, #tpu.memory_space<hbm>>) dst(%dma_wait3A_127 : memref<64x128xf32, #tpu.memory_space<vmem>>)
      %dma_wait3A_133 = arith.constant 64 : i32
      %dma_wait3A_134 = arith.constant 0 : i32
      %dma_wait3A_135 = tpu.memref_slice %arg16[%dma_wait3A_133, %dma_wait3A_134] : memref<128x128xf32, #tpu.memory_space<vmem>> -> memref<64x128xf32, #tpu.memory_space<vmem>>
      %dma_wait3A_136 = arith.constant 192 : i32
      %dma_wait3A_137 = tpu.memref_slice %arg13[%dma_wait3A_136] : memref<1024xi32, #tpu.memory_space<vmem>> -> memref<64xi32, #tpu.memory_space<vmem>>
      %dma_wait3A_138 = arith.constant 0 : i32
      %dma_wait3A_139 = arith.constant 0 : i32
      %dma_wait3A_140 = tpu.memref_slice %arg5[%dma_wait3A_138, %dma_wait3A_139] : memref<10000x128xf32, #tpu.memory_space<hbm>> -> memref<10000x128xf32, #tpu.memory_space<hbm>>
      tpu.wait_indirect_dma semaphore(%arg22 : memref<!tpu.dma_semaphore, #tpu.memory_space<semaphore_mem>>) src(%dma_wait3A_140 : memref<10000x128xf32, #tpu.memory_space<hbm>>) dst(%dma_wait3A_135 : memref<64x128xf32, #tpu.memory_space<vmem>>)
      %run_scoped3A_141 = arith.constant 1 : i32
      "tpu.region"() ({
        %run_scoped3A_329 = tpu.sem_alloc : memref<!tpu.dma_semaphore, #tpu.memory_space<semaphore_mem>>
        %dma_start3A_330 = arith.constant 0 : i32
        %dma_start3A_331 = tpu.memref_slice %arg12[%run_scoped3A_141, %dma_start3A_330] : memref<8x128xi32, #tpu.memory_space<vmem>> -> memref<1x128xi32, #tpu.memory_space<vmem>>
        %dma_start3A_332 = tpu.memref_squeeze %dma_start3A_331 : memref<1x128xi32, #tpu.memory_space<vmem>> -> memref<128xi32, #tpu.memory_space<vmem>>
        %dma_start3A_333 = arith.constant 0 : i32
        %dma_start3A_334 = arith.constant 0 : i32
        %dma_start3A_335 = tpu.memref_slice %arg18[%dma_start3A_333, %dma_start3A_334] : memref<10240x128xf32, #tpu.memory_space<vmem_shared>> -> memref<10240x128xf32, #tpu.memory_space<vmem_shared>>
        tpu.enqueue_indirect_dma source(%arg16 : memref<128x128xf32, #tpu.memory_space<vmem>>) target(%dma_start3A_335 : memref<10240x128xf32, #tpu.memory_space<vmem_shared>>) offsets(%dma_start3A_332 : memref<128xi32, #tpu.memory_space<vmem>>) semaphore(%run_scoped3A_329 : memref<!tpu.dma_semaphore, #tpu.memory_space<semaphore_mem>>) {add = true}
        %dma_wait3A_336 = arith.constant 0 : i32
        %dma_wait3A_337 = tpu.memref_slice %arg12[%run_scoped3A_141, %dma_wait3A_336] : memref<8x128xi32, #tpu.memory_space<vmem>> -> memref<1x128xi32, #tpu.memory_space<vmem>>
        %dma_wait3A_338 = tpu.memref_squeeze %dma_wait3A_337 : memref<1x128xi32, #tpu.memory_space<vmem>> -> memref<128xi32, #tpu.memory_space<vmem>>
        %dma_wait3A_339 = arith.constant 0 : i32
        %dma_wait3A_340 = arith.constant 0 : i32
        %dma_wait3A_341 = tpu.memref_slice %arg18[%dma_wait3A_339, %dma_wait3A_340] : memref<10240x128xf32, #tpu.memory_space<vmem_shared>> -> memref<10240x128xf32, #tpu.memory_space<vmem_shared>>
        tpu.wait_indirect_dma semaphore(%run_scoped3A_329 : memref<!tpu.dma_semaphore, #tpu.memory_space<semaphore_mem>>) src(%arg16 : memref<128x128xf32, #tpu.memory_space<vmem>>) dst(%dma_wait3A_341 : memref<10240x128xf32, #tpu.memory_space<vmem_shared>>)
        tpu.yield
      }) : () -> ()
      %dma_start3A_142 = arith.constant 0 : i32
      %dma_start3A_143 = arith.constant 0 : i32
      %dma_start3A_144 = tpu.memref_slice %arg16[%dma_start3A_142, %dma_start3A_143] : memref<128x128xf32, #tpu.memory_space<vmem>> -> memref<64x128xf32, #tpu.memory_space<vmem>>
      %dma_start3A_145 = arith.constant 384 : i32
      %dma_start3A_146 = tpu.memref_slice %arg13[%dma_start3A_145] : memref<1024xi32, #tpu.memory_space<vmem>> -> memref<64xi32, #tpu.memory_space<vmem>>
      %dma_start3A_147 = arith.constant 0 : i32
      %dma_start3A_148 = arith.constant 0 : i32
      %dma_start3A_149 = tpu.memref_slice %arg5[%dma_start3A_147, %dma_start3A_148] : memref<10000x128xf32, #tpu.memory_space<hbm>> -> memref<10000x128xf32, #tpu.memory_space<hbm>>
      tpu.enqueue_indirect_dma source(%dma_start3A_149 : memref<10000x128xf32, #tpu.memory_space<hbm>>) target(%dma_start3A_144 : memref<64x128xf32, #tpu.memory_space<vmem>>) offsets(%dma_start3A_146 : memref<64xi32, #tpu.memory_space<vmem>>) semaphore(%arg21 : memref<!tpu.dma_semaphore, #tpu.memory_space<semaphore_mem>>)
      %dma_start3A_150 = arith.constant 64 : i32
      %dma_start3A_151 = arith.constant 0 : i32
      %dma_start3A_152 = tpu.memref_slice %arg16[%dma_start3A_150, %dma_start3A_151] : memref<128x128xf32, #tpu.memory_space<vmem>> -> memref<64x128xf32, #tpu.memory_space<vmem>>
      %dma_start3A_153 = arith.constant 448 : i32
      %dma_start3A_154 = tpu.memref_slice %arg13[%dma_start3A_153] : memref<1024xi32, #tpu.memory_space<vmem>> -> memref<64xi32, #tpu.memory_space<vmem>>
      %dma_start3A_155 = arith.constant 0 : i32
      %dma_start3A_156 = arith.constant 0 : i32
      %dma_start3A_157 = tpu.memref_slice %arg5[%dma_start3A_155, %dma_start3A_156] : memref<10000x128xf32, #tpu.memory_space<hbm>> -> memref<10000x128xf32, #tpu.memory_space<hbm>>
      tpu.enqueue_indirect_dma source(%dma_start3A_157 : memref<10000x128xf32, #tpu.memory_space<hbm>>) target(%dma_start3A_152 : memref<64x128xf32, #tpu.memory_space<vmem>>) offsets(%dma_start3A_154 : memref<64xi32, #tpu.memory_space<vmem>>) semaphore(%arg22 : memref<!tpu.dma_semaphore, #tpu.memory_space<semaphore_mem>>)
      %dma_wait3A_158 = arith.constant 0 : i32
      %dma_wait3A_159 = arith.constant 0 : i32
      %dma_wait3A_160 = tpu.memref_slice %arg15[%dma_wait3A_158, %dma_wait3A_159] : memref<128x128xf32, #tpu.memory_space<vmem>> -> memref<64x128xf32, #tpu.memory_space<vmem>>
      %dma_wait3A_161 = arith.constant 256 : i32
      %dma_wait3A_162 = tpu.memref_slice %arg13[%dma_wait3A_161] : memref<1024xi32, #tpu.memory_space<vmem>> -> memref<64xi32, #tpu.memory_space<vmem>>
      %dma_wait3A_163 = arith.constant 0 : i32
      %dma_wait3A_164 = arith.constant 0 : i32
      %dma_wait3A_165 = tpu.memref_slice %arg5[%dma_wait3A_163, %dma_wait3A_164] : memref<10000x128xf32, #tpu.memory_space<hbm>> -> memref<10000x128xf32, #tpu.memory_space<hbm>>
      tpu.wait_indirect_dma semaphore(%arg19 : memref<!tpu.dma_semaphore, #tpu.memory_space<semaphore_mem>>) src(%dma_wait3A_165 : memref<10000x128xf32, #tpu.memory_space<hbm>>) dst(%dma_wait3A_160 : memref<64x128xf32, #tpu.memory_space<vmem>>)
      %dma_wait3A_166 = arith.constant 64 : i32
      %dma_wait3A_167 = arith.constant 0 : i32
      %dma_wait3A_168 = tpu.memref_slice %arg15[%dma_wait3A_166, %dma_wait3A_167] : memref<128x128xf32, #tpu.memory_space<vmem>> -> memref<64x128xf32, #tpu.memory_space<vmem>>
      %dma_wait3A_169 = arith.constant 320 : i32
      %dma_wait3A_170 = tpu.memref_slice %arg13[%dma_wait3A_169] : memref<1024xi32, #tpu.memory_space<vmem>> -> memref<64xi32, #tpu.memory_space<vmem>>
      %dma_wait3A_171 = arith.constant 0 : i32
      %dma_wait3A_172 = arith.constant 0 : i32
      %dma_wait3A_173 = tpu.memref_slice %arg5[%dma_wait3A_171, %dma_wait3A_172] : memref<10000x128xf32, #tpu.memory_space<hbm>> -> memref<10000x128xf32, #tpu.memory_space<hbm>>
      tpu.wait_indirect_dma semaphore(%arg20 : memref<!tpu.dma_semaphore, #tpu.memory_space<semaphore_mem>>) src(%dma_wait3A_173 : memref<10000x128xf32, #tpu.memory_space<hbm>>) dst(%dma_wait3A_168 : memref<64x128xf32, #tpu.memory_space<vmem>>)
      %run_scoped3A_174 = arith.constant 2 : i32
      "tpu.region"() ({
        %run_scoped3A_329 = tpu.sem_alloc : memref<!tpu.dma_semaphore, #tpu.memory_space<semaphore_mem>>
        %dma_start3A_330 = arith.constant 0 : i32
        %dma_start3A_331 = tpu.memref_slice %arg12[%run_scoped3A_174, %dma_start3A_330] : memref<8x128xi32, #tpu.memory_space<vmem>> -> memref<1x128xi32, #tpu.memory_space<vmem>>
        %dma_start3A_332 = tpu.memref_squeeze %dma_start3A_331 : memref<1x128xi32, #tpu.memory_space<vmem>> -> memref<128xi32, #tpu.memory_space<vmem>>
        %dma_start3A_333 = arith.constant 0 : i32
        %dma_start3A_334 = arith.constant 0 : i32
        %dma_start3A_335 = tpu.memref_slice %arg18[%dma_start3A_333, %dma_start3A_334] : memref<10240x128xf32, #tpu.memory_space<vmem_shared>> -> memref<10240x128xf32, #tpu.memory_space<vmem_shared>>
        tpu.enqueue_indirect_dma source(%arg15 : memref<128x128xf32, #tpu.memory_space<vmem>>) target(%dma_start3A_335 : memref<10240x128xf32, #tpu.memory_space<vmem_shared>>) offsets(%dma_start3A_332 : memref<128xi32, #tpu.memory_space<vmem>>) semaphore(%run_scoped3A_329 : memref<!tpu.dma_semaphore, #tpu.memory_space<semaphore_mem>>) {add = true}
        %dma_wait3A_336 = arith.constant 0 : i32
        %dma_wait3A_337 = tpu.memref_slice %arg12[%run_scoped3A_174, %dma_wait3A_336] : memref<8x128xi32, #tpu.memory_space<vmem>> -> memref<1x128xi32, #tpu.memory_space<vmem>>
        %dma_wait3A_338 = tpu.memref_squeeze %dma_wait3A_337 : memref<1x128xi32, #tpu.memory_space<vmem>> -> memref<128xi32, #tpu.memory_space<vmem>>
        %dma_wait3A_339 = arith.constant 0 : i32
        %dma_wait3A_340 = arith.constant 0 : i32
        %dma_wait3A_341 = tpu.memref_slice %arg18[%dma_wait3A_339, %dma_wait3A_340] : memref<10240x128xf32, #tpu.memory_space<vmem_shared>> -> memref<10240x128xf32, #tpu.memory_space<vmem_shared>>
        tpu.wait_indirect_dma semaphore(%run_scoped3A_329 : memref<!tpu.dma_semaphore, #tpu.memory_space<semaphore_mem>>) src(%arg15 : memref<128x128xf32, #tpu.memory_space<vmem>>) dst(%dma_wait3A_341 : memref<10240x128xf32, #tpu.memory_space<vmem_shared>>)
        tpu.yield
      }) : () -> ()
      %dma_start3A_175 = arith.constant 0 : i32
      %dma_start3A_176 = arith.constant 0 : i32
      %dma_start3A_177 = tpu.memref_slice %arg15[%dma_start3A_175, %dma_start3A_176] : memref<128x128xf32, #tpu.memory_space<vmem>> -> memref<64x128xf32, #tpu.memory_space<vmem>>
      %dma_start3A_178 = arith.constant 512 : i32
      %dma_start3A_179 = tpu.memref_slice %arg13[%dma_start3A_178] : memref<1024xi32, #tpu.memory_space<vmem>> -> memref<64xi32, #tpu.memory_space<vmem>>
      %dma_start3A_180 = arith.constant 0 : i32
      %dma_start3A_181 = arith.constant 0 : i32
      %dma_start3A_182 = tpu.memref_slice %arg5[%dma_start3A_180, %dma_start3A_181] : memref<10000x128xf32, #tpu.memory_space<hbm>> -> memref<10000x128xf32, #tpu.memory_space<hbm>>
      tpu.enqueue_indirect_dma source(%dma_start3A_182 : memref<10000x128xf32, #tpu.memory_space<hbm>>) target(%dma_start3A_177 : memref<64x128xf32, #tpu.memory_space<vmem>>) offsets(%dma_start3A_179 : memref<64xi32, #tpu.memory_space<vmem>>) semaphore(%arg19 : memref<!tpu.dma_semaphore, #tpu.memory_space<semaphore_mem>>)
      %dma_start3A_183 = arith.constant 64 : i32
      %dma_start3A_184 = arith.constant 0 : i32
      %dma_start3A_185 = tpu.memref_slice %arg15[%dma_start3A_183, %dma_start3A_184] : memref<128x128xf32, #tpu.memory_space<vmem>> -> memref<64x128xf32, #tpu.memory_space<vmem>>
      %dma_start3A_186 = arith.constant 576 : i32
      %dma_start3A_187 = tpu.memref_slice %arg13[%dma_start3A_186] : memref<1024xi32, #tpu.memory_space<vmem>> -> memref<64xi32, #tpu.memory_space<vmem>>
      %dma_start3A_188 = arith.constant 0 : i32
      %dma_start3A_189 = arith.constant 0 : i32
      %dma_start3A_190 = tpu.memref_slice %arg5[%dma_start3A_188, %dma_start3A_189] : memref<10000x128xf32, #tpu.memory_space<hbm>> -> memref<10000x128xf32, #tpu.memory_space<hbm>>
      tpu.enqueue_indirect_dma source(%dma_start3A_190 : memref<10000x128xf32, #tpu.memory_space<hbm>>) target(%dma_start3A_185 : memref<64x128xf32, #tpu.memory_space<vmem>>) offsets(%dma_start3A_187 : memref<64xi32, #tpu.memory_space<vmem>>) semaphore(%arg20 : memref<!tpu.dma_semaphore, #tpu.memory_space<semaphore_mem>>)
      %dma_wait3A_191 = arith.constant 0 : i32
      %dma_wait3A_192 = arith.constant 0 : i32
      %dma_wait3A_193 = tpu.memref_slice %arg16[%dma_wait3A_191, %dma_wait3A_192] : memref<128x128xf32, #tpu.memory_space<vmem>> -> memref<64x128xf32, #tpu.memory_space<vmem>>
      %dma_wait3A_194 = arith.constant 384 : i32
      %dma_wait3A_195 = tpu.memref_slice %arg13[%dma_wait3A_194] : memref<1024xi32, #tpu.memory_space<vmem>> -> memref<64xi32, #tpu.memory_space<vmem>>
      %dma_wait3A_196 = arith.constant 0 : i32
      %dma_wait3A_197 = arith.constant 0 : i32
      %dma_wait3A_198 = tpu.memref_slice %arg5[%dma_wait3A_196, %dma_wait3A_197] : memref<10000x128xf32, #tpu.memory_space<hbm>> -> memref<10000x128xf32, #tpu.memory_space<hbm>>
      tpu.wait_indirect_dma semaphore(%arg21 : memref<!tpu.dma_semaphore, #tpu.memory_space<semaphore_mem>>) src(%dma_wait3A_198 : memref<10000x128xf32, #tpu.memory_space<hbm>>) dst(%dma_wait3A_193 : memref<64x128xf32, #tpu.memory_space<vmem>>)
      %dma_wait3A_199 = arith.constant 64 : i32
      %dma_wait3A_200 = arith.constant 0 : i32
      %dma_wait3A_201 = tpu.memref_slice %arg16[%dma_wait3A_199, %dma_wait3A_200] : memref<128x128xf32, #tpu.memory_space<vmem>> -> memref<64x128xf32, #tpu.memory_space<vmem>>
      %dma_wait3A_202 = arith.constant 448 : i32
      %dma_wait3A_203 = tpu.memref_slice %arg13[%dma_wait3A_202] : memref<1024xi32, #tpu.memory_space<vmem>> -> memref<64xi32, #tpu.memory_space<vmem>>
      %dma_wait3A_204 = arith.constant 0 : i32
      %dma_wait3A_205 = arith.constant 0 : i32
      %dma_wait3A_206 = tpu.memref_slice %arg5[%dma_wait3A_204, %dma_wait3A_205] : memref<10000x128xf32, #tpu.memory_space<hbm>> -> memref<10000x128xf32, #tpu.memory_space<hbm>>
      tpu.wait_indirect_dma semaphore(%arg22 : memref<!tpu.dma_semaphore, #tpu.memory_space<semaphore_mem>>) src(%dma_wait3A_206 : memref<10000x128xf32, #tpu.memory_space<hbm>>) dst(%dma_wait3A_201 : memref<64x128xf32, #tpu.memory_space<vmem>>)
      %run_scoped3A_207 = arith.constant 3 : i32
      "tpu.region"() ({
        %run_scoped3A_329 = tpu.sem_alloc : memref<!tpu.dma_semaphore, #tpu.memory_space<semaphore_mem>>
        %dma_start3A_330 = arith.constant 0 : i32
        %dma_start3A_331 = tpu.memref_slice %arg12[%run_scoped3A_207, %dma_start3A_330] : memref<8x128xi32, #tpu.memory_space<vmem>> -> memref<1x128xi32, #tpu.memory_space<vmem>>
        %dma_start3A_332 = tpu.memref_squeeze %dma_start3A_331 : memref<1x128xi32, #tpu.memory_space<vmem>> -> memref<128xi32, #tpu.memory_space<vmem>>
        %dma_start3A_333 = arith.constant 0 : i32
        %dma_start3A_334 = arith.constant 0 : i32
        %dma_start3A_335 = tpu.memref_slice %arg18[%dma_start3A_333, %dma_start3A_334] : memref<10240x128xf32, #tpu.memory_space<vmem_shared>> -> memref<10240x128xf32, #tpu.memory_space<vmem_shared>>
        tpu.enqueue_indirect_dma source(%arg16 : memref<128x128xf32, #tpu.memory_space<vmem>>) target(%dma_start3A_335 : memref<10240x128xf32, #tpu.memory_space<vmem_shared>>) offsets(%dma_start3A_332 : memref<128xi32, #tpu.memory_space<vmem>>) semaphore(%run_scoped3A_329 : memref<!tpu.dma_semaphore, #tpu.memory_space<semaphore_mem>>) {add = true}
        %dma_wait3A_336 = arith.constant 0 : i32
        %dma_wait3A_337 = tpu.memref_slice %arg12[%run_scoped3A_207, %dma_wait3A_336] : memref<8x128xi32, #tpu.memory_space<vmem>> -> memref<1x128xi32, #tpu.memory_space<vmem>>
        %dma_wait3A_338 = tpu.memref_squeeze %dma_wait3A_337 : memref<1x128xi32, #tpu.memory_space<vmem>> -> memref<128xi32, #tpu.memory_space<vmem>>
        %dma_wait3A_339 = arith.constant 0 : i32
        %dma_wait3A_340 = arith.constant 0 : i32
        %dma_wait3A_341 = tpu.memref_slice %arg18[%dma_wait3A_339, %dma_wait3A_340] : memref<10240x128xf32, #tpu.memory_space<vmem_shared>> -> memref<10240x128xf32, #tpu.memory_space<vmem_shared>>
        tpu.wait_indirect_dma semaphore(%run_scoped3A_329 : memref<!tpu.dma_semaphore, #tpu.memory_space<semaphore_mem>>) src(%arg16 : memref<128x128xf32, #tpu.memory_space<vmem>>) dst(%dma_wait3A_341 : memref<10240x128xf32, #tpu.memory_space<vmem_shared>>)
        tpu.yield
      }) : () -> ()
      %dma_start3A_208 = arith.constant 0 : i32
      %dma_start3A_209 = arith.constant 0 : i32
      %dma_start3A_210 = tpu.memref_slice %arg16[%dma_start3A_208, %dma_start3A_209] : memref<128x128xf32, #tpu.memory_space<vmem>> -> memref<64x128xf32, #tpu.memory_space<vmem>>
      %dma_start3A_211 = arith.constant 640 : i32
      %dma_start3A_212 = tpu.memref_slice %arg13[%dma_start3A_211] : memref<1024xi32, #tpu.memory_space<vmem>> -> memref<64xi32, #tpu.memory_space<vmem>>
      %dma_start3A_213 = arith.constant 0 : i32
      %dma_start3A_214 = arith.constant 0 : i32
      %dma_start3A_215 = tpu.memref_slice %arg5[%dma_start3A_213, %dma_start3A_214] : memref<10000x128xf32, #tpu.memory_space<hbm>> -> memref<10000x128xf32, #tpu.memory_space<hbm>>
      tpu.enqueue_indirect_dma source(%dma_start3A_215 : memref<10000x128xf32, #tpu.memory_space<hbm>>) target(%dma_start3A_210 : memref<64x128xf32, #tpu.memory_space<vmem>>) offsets(%dma_start3A_212 : memref<64xi32, #tpu.memory_space<vmem>>) semaphore(%arg21 : memref<!tpu.dma_semaphore, #tpu.memory_space<semaphore_mem>>)
      %dma_start3A_216 = arith.constant 64 : i32
      %dma_start3A_217 = arith.constant 0 : i32
      %dma_start3A_218 = tpu.memref_slice %arg16[%dma_start3A_216, %dma_start3A_217] : memref<128x128xf32, #tpu.memory_space<vmem>> -> memref<64x128xf32, #tpu.memory_space<vmem>>
      %dma_start3A_219 = arith.constant 704 : i32
      %dma_start3A_220 = tpu.memref_slice %arg13[%dma_start3A_219] : memref<1024xi32, #tpu.memory_space<vmem>> -> memref<64xi32, #tpu.memory_space<vmem>>
      %dma_start3A_221 = arith.constant 0 : i32
      %dma_start3A_222 = arith.constant 0 : i32
      %dma_start3A_223 = tpu.memref_slice %arg5[%dma_start3A_221, %dma_start3A_222] : memref<10000x128xf32, #tpu.memory_space<hbm>> -> memref<10000x128xf32, #tpu.memory_space<hbm>>
      tpu.enqueue_indirect_dma source(%dma_start3A_223 : memref<10000x128xf32, #tpu.memory_space<hbm>>) target(%dma_start3A_218 : memref<64x128xf32, #tpu.memory_space<vmem>>) offsets(%dma_start3A_220 : memref<64xi32, #tpu.memory_space<vmem>>) semaphore(%arg22 : memref<!tpu.dma_semaphore, #tpu.memory_space<semaphore_mem>>)
      %dma_wait3A_224 = arith.constant 0 : i32
      %dma_wait3A_225 = arith.constant 0 : i32
      %dma_wait3A_226 = tpu.memref_slice %arg15[%dma_wait3A_224, %dma_wait3A_225] : memref<128x128xf32, #tpu.memory_space<vmem>> -> memref<64x128xf32, #tpu.memory_space<vmem>>
      %dma_wait3A_227 = arith.constant 512 : i32
      %dma_wait3A_228 = tpu.memref_slice %arg13[%dma_wait3A_227] : memref<1024xi32, #tpu.memory_space<vmem>> -> memref<64xi32, #tpu.memory_space<vmem>>
      %dma_wait3A_229 = arith.constant 0 : i32
      %dma_wait3A_230 = arith.constant 0 : i32
      %dma_wait3A_231 = tpu.memref_slice %arg5[%dma_wait3A_229, %dma_wait3A_230] : memref<10000x128xf32, #tpu.memory_space<hbm>> -> memref<10000x128xf32, #tpu.memory_space<hbm>>
      tpu.wait_indirect_dma semaphore(%arg19 : memref<!tpu.dma_semaphore, #tpu.memory_space<semaphore_mem>>) src(%dma_wait3A_231 : memref<10000x128xf32, #tpu.memory_space<hbm>>) dst(%dma_wait3A_226 : memref<64x128xf32, #tpu.memory_space<vmem>>)
      %dma_wait3A_232 = arith.constant 64 : i32
      %dma_wait3A_233 = arith.constant 0 : i32
      %dma_wait3A_234 = tpu.memref_slice %arg15[%dma_wait3A_232, %dma_wait3A_233] : memref<128x128xf32, #tpu.memory_space<vmem>> -> memref<64x128xf32, #tpu.memory_space<vmem>>
      %dma_wait3A_235 = arith.constant 576 : i32
      %dma_wait3A_236 = tpu.memref_slice %arg13[%dma_wait3A_235] : memref<1024xi32, #tpu.memory_space<vmem>> -> memref<64xi32, #tpu.memory_space<vmem>>
      %dma_wait3A_237 = arith.constant 0 : i32
      %dma_wait3A_238 = arith.constant 0 : i32
      %dma_wait3A_239 = tpu.memref_slice %arg5[%dma_wait3A_237, %dma_wait3A_238] : memref<10000x128xf32, #tpu.memory_space<hbm>> -> memref<10000x128xf32, #tpu.memory_space<hbm>>
      tpu.wait_indirect_dma semaphore(%arg20 : memref<!tpu.dma_semaphore, #tpu.memory_space<semaphore_mem>>) src(%dma_wait3A_239 : memref<10000x128xf32, #tpu.memory_space<hbm>>) dst(%dma_wait3A_234 : memref<64x128xf32, #tpu.memory_space<vmem>>)
      %run_scoped3A_240 = arith.constant 4 : i32
      "tpu.region"() ({
        %run_scoped3A_329 = tpu.sem_alloc : memref<!tpu.dma_semaphore, #tpu.memory_space<semaphore_mem>>
        %dma_start3A_330 = arith.constant 0 : i32
        %dma_start3A_331 = tpu.memref_slice %arg12[%run_scoped3A_240, %dma_start3A_330] : memref<8x128xi32, #tpu.memory_space<vmem>> -> memref<1x128xi32, #tpu.memory_space<vmem>>
        %dma_start3A_332 = tpu.memref_squeeze %dma_start3A_331 : memref<1x128xi32, #tpu.memory_space<vmem>> -> memref<128xi32, #tpu.memory_space<vmem>>
        %dma_start3A_333 = arith.constant 0 : i32
        %dma_start3A_334 = arith.constant 0 : i32
        %dma_start3A_335 = tpu.memref_slice %arg18[%dma_start3A_333, %dma_start3A_334] : memref<10240x128xf32, #tpu.memory_space<vmem_shared>> -> memref<10240x128xf32, #tpu.memory_space<vmem_shared>>
        tpu.enqueue_indirect_dma source(%arg15 : memref<128x128xf32, #tpu.memory_space<vmem>>) target(%dma_start3A_335 : memref<10240x128xf32, #tpu.memory_space<vmem_shared>>) offsets(%dma_start3A_332 : memref<128xi32, #tpu.memory_space<vmem>>) semaphore(%run_scoped3A_329 : memref<!tpu.dma_semaphore, #tpu.memory_space<semaphore_mem>>) {add = true}
        %dma_wait3A_336 = arith.constant 0 : i32
        %dma_wait3A_337 = tpu.memref_slice %arg12[%run_scoped3A_240, %dma_wait3A_336] : memref<8x128xi32, #tpu.memory_space<vmem>> -> memref<1x128xi32, #tpu.memory_space<vmem>>
        %dma_wait3A_338 = tpu.memref_squeeze %dma_wait3A_337 : memref<1x128xi32, #tpu.memory_space<vmem>> -> memref<128xi32, #tpu.memory_space<vmem>>
        %dma_wait3A_339 = arith.constant 0 : i32
        %dma_wait3A_340 = arith.constant 0 : i32
        %dma_wait3A_341 = tpu.memref_slice %arg18[%dma_wait3A_339, %dma_wait3A_340] : memref<10240x128xf32, #tpu.memory_space<vmem_shared>> -> memref<10240x128xf32, #tpu.memory_space<vmem_shared>>
        tpu.wait_indirect_dma semaphore(%run_scoped3A_329 : memref<!tpu.dma_semaphore, #tpu.memory_space<semaphore_mem>>) src(%arg15 : memref<128x128xf32, #tpu.memory_space<vmem>>) dst(%dma_wait3A_341 : memref<10240x128xf32, #tpu.memory_space<vmem_shared>>)
        tpu.yield
      }) : () -> ()
      %dma_start3A_241 = arith.constant 0 : i32
      %dma_start3A_242 = arith.constant 0 : i32
      %dma_start3A_243 = tpu.memref_slice %arg15[%dma_start3A_241, %dma_start3A_242] : memref<128x128xf32, #tpu.memory_space<vmem>> -> memref<64x128xf32, #tpu.memory_space<vmem>>
      %dma_start3A_244 = arith.constant 768 : i32
      %dma_start3A_245 = tpu.memref_slice %arg13[%dma_start3A_244] : memref<1024xi32, #tpu.memory_space<vmem>> -> memref<64xi32, #tpu.memory_space<vmem>>
      %dma_start3A_246 = arith.constant 0 : i32
      %dma_start3A_247 = arith.constant 0 : i32
      %dma_start3A_248 = tpu.memref_slice %arg5[%dma_start3A_246, %dma_start3A_247] : memref<10000x128xf32, #tpu.memory_space<hbm>> -> memref<10000x128xf32, #tpu.memory_space<hbm>>
      tpu.enqueue_indirect_dma source(%dma_start3A_248 : memref<10000x128xf32, #tpu.memory_space<hbm>>) target(%dma_start3A_243 : memref<64x128xf32, #tpu.memory_space<vmem>>) offsets(%dma_start3A_245 : memref<64xi32, #tpu.memory_space<vmem>>) semaphore(%arg19 : memref<!tpu.dma_semaphore, #tpu.memory_space<semaphore_mem>>)
      %dma_start3A_249 = arith.constant 64 : i32
      %dma_start3A_250 = arith.constant 0 : i32
      %dma_start3A_251 = tpu.memref_slice %arg15[%dma_start3A_249, %dma_start3A_250] : memref<128x128xf32, #tpu.memory_space<vmem>> -> memref<64x128xf32, #tpu.memory_space<vmem>>
      %dma_start3A_252 = arith.constant 832 : i32
      %dma_start3A_253 = tpu.memref_slice %arg13[%dma_start3A_252] : memref<1024xi32, #tpu.memory_space<vmem>> -> memref<64xi32, #tpu.memory_space<vmem>>
      %dma_start3A_254 = arith.constant 0 : i32
      %dma_start3A_255 = arith.constant 0 : i32
      %dma_start3A_256 = tpu.memref_slice %arg5[%dma_start3A_254, %dma_start3A_255] : memref<10000x128xf32, #tpu.memory_space<hbm>> -> memref<10000x128xf32, #tpu.memory_space<hbm>>
      tpu.enqueue_indirect_dma source(%dma_start3A_256 : memref<10000x128xf32, #tpu.memory_space<hbm>>) target(%dma_start3A_251 : memref<64x128xf32, #tpu.memory_space<vmem>>) offsets(%dma_start3A_253 : memref<64xi32, #tpu.memory_space<vmem>>) semaphore(%arg20 : memref<!tpu.dma_semaphore, #tpu.memory_space<semaphore_mem>>)
      %dma_wait3A_257 = arith.constant 0 : i32
      %dma_wait3A_258 = arith.constant 0 : i32
      %dma_wait3A_259 = tpu.memref_slice %arg16[%dma_wait3A_257, %dma_wait3A_258] : memref<128x128xf32, #tpu.memory_space<vmem>> -> memref<64x128xf32, #tpu.memory_space<vmem>>
      %dma_wait3A_260 = arith.constant 640 : i32
      %dma_wait3A_261 = tpu.memref_slice %arg13[%dma_wait3A_260] : memref<1024xi32, #tpu.memory_space<vmem>> -> memref<64xi32, #tpu.memory_space<vmem>>
      %dma_wait3A_262 = arith.constant 0 : i32
      %dma_wait3A_263 = arith.constant 0 : i32
      %dma_wait3A_264 = tpu.memref_slice %arg5[%dma_wait3A_262, %dma_wait3A_263] : memref<10000x128xf32, #tpu.memory_space<hbm>> -> memref<10000x128xf32, #tpu.memory_space<hbm>>
      tpu.wait_indirect_dma semaphore(%arg21 : memref<!tpu.dma_semaphore, #tpu.memory_space<semaphore_mem>>) src(%dma_wait3A_264 : memref<10000x128xf32, #tpu.memory_space<hbm>>) dst(%dma_wait3A_259 : memref<64x128xf32, #tpu.memory_space<vmem>>)
      %dma_wait3A_265 = arith.constant 64 : i32
      %dma_wait3A_266 = arith.constant 0 : i32
      %dma_wait3A_267 = tpu.memref_slice %arg16[%dma_wait3A_265, %dma_wait3A_266] : memref<128x128xf32, #tpu.memory_space<vmem>> -> memref<64x128xf32, #tpu.memory_space<vmem>>
      %dma_wait3A_268 = arith.constant 704 : i32
      %dma_wait3A_269 = tpu.memref_slice %arg13[%dma_wait3A_268] : memref<1024xi32, #tpu.memory_space<vmem>> -> memref<64xi32, #tpu.memory_space<vmem>>
      %dma_wait3A_270 = arith.constant 0 : i32
      %dma_wait3A_271 = arith.constant 0 : i32
      %dma_wait3A_272 = tpu.memref_slice %arg5[%dma_wait3A_270, %dma_wait3A_271] : memref<10000x128xf32, #tpu.memory_space<hbm>> -> memref<10000x128xf32, #tpu.memory_space<hbm>>
      tpu.wait_indirect_dma semaphore(%arg22 : memref<!tpu.dma_semaphore, #tpu.memory_space<semaphore_mem>>) src(%dma_wait3A_272 : memref<10000x128xf32, #tpu.memory_space<hbm>>) dst(%dma_wait3A_267 : memref<64x128xf32, #tpu.memory_space<vmem>>)
      %run_scoped3A_273 = arith.constant 5 : i32
      "tpu.region"() ({
        %run_scoped3A_329 = tpu.sem_alloc : memref<!tpu.dma_semaphore, #tpu.memory_space<semaphore_mem>>
        %dma_start3A_330 = arith.constant 0 : i32
        %dma_start3A_331 = tpu.memref_slice %arg12[%run_scoped3A_273, %dma_start3A_330] : memref<8x128xi32, #tpu.memory_space<vmem>> -> memref<1x128xi32, #tpu.memory_space<vmem>>
        %dma_start3A_332 = tpu.memref_squeeze %dma_start3A_331 : memref<1x128xi32, #tpu.memory_space<vmem>> -> memref<128xi32, #tpu.memory_space<vmem>>
        %dma_start3A_333 = arith.constant 0 : i32
        %dma_start3A_334 = arith.constant 0 : i32
        %dma_start3A_335 = tpu.memref_slice %arg18[%dma_start3A_333, %dma_start3A_334] : memref<10240x128xf32, #tpu.memory_space<vmem_shared>> -> memref<10240x128xf32, #tpu.memory_space<vmem_shared>>
        tpu.enqueue_indirect_dma source(%arg16 : memref<128x128xf32, #tpu.memory_space<vmem>>) target(%dma_start3A_335 : memref<10240x128xf32, #tpu.memory_space<vmem_shared>>) offsets(%dma_start3A_332 : memref<128xi32, #tpu.memory_space<vmem>>) semaphore(%run_scoped3A_329 : memref<!tpu.dma_semaphore, #tpu.memory_space<semaphore_mem>>) {add = true}
        %dma_wait3A_336 = arith.constant 0 : i32
        %dma_wait3A_337 = tpu.memref_slice %arg12[%run_scoped3A_273, %dma_wait3A_336] : memref<8x128xi32, #tpu.memory_space<vmem>> -> memref<1x128xi32, #tpu.memory_space<vmem>>
        %dma_wait3A_338 = tpu.memref_squeeze %dma_wait3A_337 : memref<1x128xi32, #tpu.memory_space<vmem>> -> memref<128xi32, #tpu.memory_space<vmem>>
        %dma_wait3A_339 = arith.constant 0 : i32
        %dma_wait3A_340 = arith.constant 0 : i32
        %dma_wait3A_341 = tpu.memref_slice %arg18[%dma_wait3A_339, %dma_wait3A_340] : memref<10240x128xf32, #tpu.memory_space<vmem_shared>> -> memref<10240x128xf32, #tpu.memory_space<vmem_shared>>
        tpu.wait_indirect_dma semaphore(%run_scoped3A_329 : memref<!tpu.dma_semaphore, #tpu.memory_space<semaphore_mem>>) src(%arg16 : memref<128x128xf32, #tpu.memory_space<vmem>>) dst(%dma_wait3A_341 : memref<10240x128xf32, #tpu.memory_space<vmem_shared>>)
        tpu.yield
      }) : () -> ()
      %dma_start3A_274 = arith.constant 0 : i32
      %dma_start3A_275 = arith.constant 0 : i32
      %dma_start3A_276 = tpu.memref_slice %arg16[%dma_start3A_274, %dma_start3A_275] : memref<128x128xf32, #tpu.memory_space<vmem>> -> memref<64x128xf32, #tpu.memory_space<vmem>>
      %dma_start3A_277 = arith.constant 896 : i32
      %dma_start3A_278 = tpu.memref_slice %arg13[%dma_start3A_277] : memref<1024xi32, #tpu.memory_space<vmem>> -> memref<64xi32, #tpu.memory_space<vmem>>
      %dma_start3A_279 = arith.constant 0 : i32
      %dma_start3A_280 = arith.constant 0 : i32
      %dma_start3A_281 = tpu.memref_slice %arg5[%dma_start3A_279, %dma_start3A_280] : memref<10000x128xf32, #tpu.memory_space<hbm>> -> memref<10000x128xf32, #tpu.memory_space<hbm>>
      tpu.enqueue_indirect_dma source(%dma_start3A_281 : memref<10000x128xf32, #tpu.memory_space<hbm>>) target(%dma_start3A_276 : memref<64x128xf32, #tpu.memory_space<vmem>>) offsets(%dma_start3A_278 : memref<64xi32, #tpu.memory_space<vmem>>) semaphore(%arg21 : memref<!tpu.dma_semaphore, #tpu.memory_space<semaphore_mem>>)
      %dma_start3A_282 = arith.constant 64 : i32
      %dma_start3A_283 = arith.constant 0 : i32
      %dma_start3A_284 = tpu.memref_slice %arg16[%dma_start3A_282, %dma_start3A_283] : memref<128x128xf32, #tpu.memory_space<vmem>> -> memref<64x128xf32, #tpu.memory_space<vmem>>
      %dma_start3A_285 = arith.constant 960 : i32
      %dma_start3A_286 = tpu.memref_slice %arg13[%dma_start3A_285] : memref<1024xi32, #tpu.memory_space<vmem>> -> memref<64xi32, #tpu.memory_space<vmem>>
      %dma_start3A_287 = arith.constant 0 : i32
      %dma_start3A_288 = arith.constant 0 : i32
      %dma_start3A_289 = tpu.memref_slice %arg5[%dma_start3A_287, %dma_start3A_288] : memref<10000x128xf32, #tpu.memory_space<hbm>> -> memref<10000x128xf32, #tpu.memory_space<hbm>>
      tpu.enqueue_indirect_dma source(%dma_start3A_289 : memref<10000x128xf32, #tpu.memory_space<hbm>>) target(%dma_start3A_284 : memref<64x128xf32, #tpu.memory_space<vmem>>) offsets(%dma_start3A_286 : memref<64xi32, #tpu.memory_space<vmem>>) semaphore(%arg22 : memref<!tpu.dma_semaphore, #tpu.memory_space<semaphore_mem>>)
      %dma_wait3A_290 = arith.constant 0 : i32
      %dma_wait3A_291 = arith.constant 0 : i32
      %dma_wait3A_292 = tpu.memref_slice %arg15[%dma_wait3A_290, %dma_wait3A_291] : memref<128x128xf32, #tpu.memory_space<vmem>> -> memref<64x128xf32, #tpu.memory_space<vmem>>
      %dma_wait3A_293 = arith.constant 768 : i32
      %dma_wait3A_294 = tpu.memref_slice %arg13[%dma_wait3A_293] : memref<1024xi32, #tpu.memory_space<vmem>> -> memref<64xi32, #tpu.memory_space<vmem>>
      %dma_wait3A_295 = arith.constant 0 : i32
      %dma_wait3A_296 = arith.constant 0 : i32
      %dma_wait3A_297 = tpu.memref_slice %arg5[%dma_wait3A_295, %dma_wait3A_296] : memref<10000x128xf32, #tpu.memory_space<hbm>> -> memref<10000x128xf32, #tpu.memory_space<hbm>>
      tpu.wait_indirect_dma semaphore(%arg19 : memref<!tpu.dma_semaphore, #tpu.memory_space<semaphore_mem>>) src(%dma_wait3A_297 : memref<10000x128xf32, #tpu.memory_space<hbm>>) dst(%dma_wait3A_292 : memref<64x128xf32, #tpu.memory_space<vmem>>)
      %dma_wait3A_298 = arith.constant 64 : i32
      %dma_wait3A_299 = arith.constant 0 : i32
      %dma_wait3A_300 = tpu.memref_slice %arg15[%dma_wait3A_298, %dma_wait3A_299] : memref<128x128xf32, #tpu.memory_space<vmem>> -> memref<64x128xf32, #tpu.memory_space<vmem>>
      %dma_wait3A_301 = arith.constant 832 : i32
      %dma_wait3A_302 = tpu.memref_slice %arg13[%dma_wait3A_301] : memref<1024xi32, #tpu.memory_space<vmem>> -> memref<64xi32, #tpu.memory_space<vmem>>
      %dma_wait3A_303 = arith.constant 0 : i32
      %dma_wait3A_304 = arith.constant 0 : i32
      %dma_wait3A_305 = tpu.memref_slice %arg5[%dma_wait3A_303, %dma_wait3A_304] : memref<10000x128xf32, #tpu.memory_space<hbm>> -> memref<10000x128xf32, #tpu.memory_space<hbm>>
      tpu.wait_indirect_dma semaphore(%arg20 : memref<!tpu.dma_semaphore, #tpu.memory_space<semaphore_mem>>) src(%dma_wait3A_305 : memref<10000x128xf32, #tpu.memory_space<hbm>>) dst(%dma_wait3A_300 : memref<64x128xf32, #tpu.memory_space<vmem>>)
      %run_scoped3A_306 = arith.constant 6 : i32
      "tpu.region"() ({
        %run_scoped3A_329 = tpu.sem_alloc : memref<!tpu.dma_semaphore, #tpu.memory_space<semaphore_mem>>
        %dma_start3A_330 = arith.constant 0 : i32
        %dma_start3A_331 = tpu.memref_slice %arg12[%run_scoped3A_306, %dma_start3A_330] : memref<8x128xi32, #tpu.memory_space<vmem>> -> memref<1x128xi32, #tpu.memory_space<vmem>>
        %dma_start3A_332 = tpu.memref_squeeze %dma_start3A_331 : memref<1x128xi32, #tpu.memory_space<vmem>> -> memref<128xi32, #tpu.memory_space<vmem>>
        %dma_start3A_333 = arith.constant 0 : i32
        %dma_start3A_334 = arith.constant 0 : i32
        %dma_start3A_335 = tpu.memref_slice %arg18[%dma_start3A_333, %dma_start3A_334] : memref<10240x128xf32, #tpu.memory_space<vmem_shared>> -> memref<10240x128xf32, #tpu.memory_space<vmem_shared>>
        tpu.enqueue_indirect_dma source(%arg15 : memref<128x128xf32, #tpu.memory_space<vmem>>) target(%dma_start3A_335 : memref<10240x128xf32, #tpu.memory_space<vmem_shared>>) offsets(%dma_start3A_332 : memref<128xi32, #tpu.memory_space<vmem>>) semaphore(%run_scoped3A_329 : memref<!tpu.dma_semaphore, #tpu.memory_space<semaphore_mem>>) {add = true}
        %dma_wait3A_336 = arith.constant 0 : i32
        %dma_wait3A_337 = tpu.memref_slice %arg12[%run_scoped3A_306, %dma_wait3A_336] : memref<8x128xi32, #tpu.memory_space<vmem>> -> memref<1x128xi32, #tpu.memory_space<vmem>>
        %dma_wait3A_338 = tpu.memref_squeeze %dma_wait3A_337 : memref<1x128xi32, #tpu.memory_space<vmem>> -> memref<128xi32, #tpu.memory_space<vmem>>
        %dma_wait3A_339 = arith.constant 0 : i32
        %dma_wait3A_340 = arith.constant 0 : i32
        %dma_wait3A_341 = tpu.memref_slice %arg18[%dma_wait3A_339, %dma_wait3A_340] : memref<10240x128xf32, #tpu.memory_space<vmem_shared>> -> memref<10240x128xf32, #tpu.memory_space<vmem_shared>>
        tpu.wait_indirect_dma semaphore(%run_scoped3A_329 : memref<!tpu.dma_semaphore, #tpu.memory_space<semaphore_mem>>) src(%arg15 : memref<128x128xf32, #tpu.memory_space<vmem>>) dst(%dma_wait3A_341 : memref<10240x128xf32, #tpu.memory_space<vmem_shared>>)
        tpu.yield
      }) : () -> ()
      %dma_wait3A_307 = arith.constant 0 : i32
      %dma_wait3A_308 = arith.constant 0 : i32
      %dma_wait3A_309 = tpu.memref_slice %arg16[%dma_wait3A_307, %dma_wait3A_308] : memref<128x128xf32, #tpu.memory_space<vmem>> -> memref<64x128xf32, #tpu.memory_space<vmem>>
      %dma_wait3A_310 = arith.constant 896 : i32
      %dma_wait3A_311 = tpu.memref_slice %arg13[%dma_wait3A_310] : memref<1024xi32, #tpu.memory_space<vmem>> -> memref<64xi32, #tpu.memory_space<vmem>>
      %dma_wait3A_312 = arith.constant 0 : i32
      %dma_wait3A_313 = arith.constant 0 : i32
      %dma_wait3A_314 = tpu.memref_slice %arg5[%dma_wait3A_312, %dma_wait3A_313] : memref<10000x128xf32, #tpu.memory_space<hbm>> -> memref<10000x128xf32, #tpu.memory_space<hbm>>
      tpu.wait_indirect_dma semaphore(%arg21 : memref<!tpu.dma_semaphore, #tpu.memory_space<semaphore_mem>>) src(%dma_wait3A_314 : memref<10000x128xf32, #tpu.memory_space<hbm>>) dst(%dma_wait3A_309 : memref<64x128xf32, #tpu.memory_space<vmem>>)
      %dma_wait3A_315 = arith.constant 64 : i32
      %dma_wait3A_316 = arith.constant 0 : i32
      %dma_wait3A_317 = tpu.memref_slice %arg16[%dma_wait3A_315, %dma_wait3A_316] : memref<128x128xf32, #tpu.memory_space<vmem>> -> memref<64x128xf32, #tpu.memory_space<vmem>>
      %dma_wait3A_318 = arith.constant 960 : i32
      %dma_wait3A_319 = tpu.memref_slice %arg13[%dma_wait3A_318] : memref<1024xi32, #tpu.memory_space<vmem>> -> memref<64xi32, #tpu.memory_space<vmem>>
      %dma_wait3A_320 = arith.constant 0 : i32
      %dma_wait3A_321 = arith.constant 0 : i32
      %dma_wait3A_322 = tpu.memref_slice %arg5[%dma_wait3A_320, %dma_wait3A_321] : memref<10000x128xf32, #tpu.memory_space<hbm>> -> memref<10000x128xf32, #tpu.memory_space<hbm>>
      tpu.wait_indirect_dma semaphore(%arg22 : memref<!tpu.dma_semaphore, #tpu.memory_space<semaphore_mem>>) src(%dma_wait3A_322 : memref<10000x128xf32, #tpu.memory_space<hbm>>) dst(%dma_wait3A_317 : memref<64x128xf32, #tpu.memory_space<vmem>>)
      %run_scoped3A_323 = arith.constant 7 : i32
      "tpu.region"() ({
        %run_scoped3A_329 = tpu.sem_alloc : memref<!tpu.dma_semaphore, #tpu.memory_space<semaphore_mem>>
        %dma_start3A_330 = arith.constant 0 : i32
        %dma_start3A_331 = tpu.memref_slice %arg12[%run_scoped3A_323, %dma_start3A_330] : memref<8x128xi32, #tpu.memory_space<vmem>> -> memref<1x128xi32, #tpu.memory_space<vmem>>
        %dma_start3A_332 = tpu.memref_squeeze %dma_start3A_331 : memref<1x128xi32, #tpu.memory_space<vmem>> -> memref<128xi32, #tpu.memory_space<vmem>>
        %dma_start3A_333 = arith.constant 0 : i32
        %dma_start3A_334 = arith.constant 0 : i32
        %dma_start3A_335 = tpu.memref_slice %arg18[%dma_start3A_333, %dma_start3A_334] : memref<10240x128xf32, #tpu.memory_space<vmem_shared>> -> memref<10240x128xf32, #tpu.memory_space<vmem_shared>>
        tpu.enqueue_indirect_dma source(%arg16 : memref<128x128xf32, #tpu.memory_space<vmem>>) target(%dma_start3A_335 : memref<10240x128xf32, #tpu.memory_space<vmem_shared>>) offsets(%dma_start3A_332 : memref<128xi32, #tpu.memory_space<vmem>>) semaphore(%run_scoped3A_329 : memref<!tpu.dma_semaphore, #tpu.memory_space<semaphore_mem>>) {add = true}
        %dma_wait3A_336 = arith.constant 0 : i32
        %dma_wait3A_337 = tpu.memref_slice %arg12[%run_scoped3A_323, %dma_wait3A_336] : memref<8x128xi32, #tpu.memory_space<vmem>> -> memref<1x128xi32, #tpu.memory_space<vmem>>
        %dma_wait3A_338 = tpu.memref_squeeze %dma_wait3A_337 : memref<1x128xi32, #tpu.memory_space<vmem>> -> memref<128xi32, #tpu.memory_space<vmem>>
        %dma_wait3A_339 = arith.constant 0 : i32
        %dma_wait3A_340 = arith.constant 0 : i32
        %dma_wait3A_341 = tpu.memref_slice %arg18[%dma_wait3A_339, %dma_wait3A_340] : memref<10240x128xf32, #tpu.memory_space<vmem_shared>> -> memref<10240x128xf32, #tpu.memory_space<vmem_shared>>
        tpu.wait_indirect_dma semaphore(%run_scoped3A_329 : memref<!tpu.dma_semaphore, #tpu.memory_space<semaphore_mem>>) src(%arg16 : memref<128x128xf32, #tpu.memory_space<vmem>>) dst(%dma_wait3A_341 : memref<10240x128xf32, #tpu.memory_space<vmem_shared>>)
        tpu.yield
      }) : () -> ()
      %scan3A_324 = arith.constant 0 : i32
      %scan3A_325 = arith.constant 64 : i32
      %scan3A_326 = arith.addi %scan3A_324, %scan3A_325 : i32
      %scan3A_327 = arith.constant 1 : i32
      scf.for %scan3A_329 = %scan3A_324 to %scan3A_326 step %scan3A_327  : i32 {
        %mul3A_330 = arith.constant 1 : i32
        %mul3A_331 = arith.muli %scan3A_329, %mul3A_330 : i32
        %add3A_332 = arith.constant 0 : i32
        %add3A_333 = arith.addi %add3A_332, %mul3A_331 : i32
        %mul3A_334 = arith.constant 16 : i32
        %mul3A_335 = arith.muli %add3A_333, %mul3A_334 : i32
        %get3A = arith.index_cast %mul3A_335 : i32 to index
        %get3A_336 = tpu.vector_load %arg14[%get3A] {strides = array<i32>} : memref<1024xi32, #tpu.memory_space<vmem>>, vector<16xi32>,
        tpu.vector_store_idx %arg17[%get3A_336], %broadcast_in_dim3A_12 {add = true} : memref<10240xf32, #tpu.memory_space<vmem>>[vector<16xi32>], vector<16xf32>,
      }
      %scan3A_328 = arith.constant 64 : i32
    }
    %while3A_36 = arith.constant 1 : i32
    scf.for %while3A_47 = %while3A_34 to %while3A_30 step %while3A_36  : i32 {
      %mul3A_48 = arith.muli %while3A_47, %while3A : i32
      %add3A_49 = arith.addi %while3A_27, %mul3A_48 : i32
      %mul3A_50 = arith.constant 8 : i32
      %mul3A_51 = arith.muli %add3A_49, %mul3A_50 : i32
      %add3A_52 = arith.addi %add3A_17, %mul3A_51 : i32
      "tpu.region"() ({
        %run_scoped3A_329 = tpu.sem_alloc : memref<!tpu.dma_semaphore, #tpu.memory_space<semaphore_mem>>
        %dma_start3A_330 = arith.constant 0 : i32
        %dma_start3A_331 = tpu.memref_slice %arg2[%add3A_52, %dma_start3A_330] : memref<2560x128xi32, #tpu.memory_space<hbm>> -> memref<8x128xi32, #tpu.memory_space<hbm>>
        %dma_start3A_332 = arith.constant 0 : i32
        %dma_start3A_333 = tpu.memref_slice %arg2[%add3A_52, %dma_start3A_332] : memref<2560x128xi32, #tpu.memory_space<hbm>> -> memref<8x128xi32, #tpu.memory_space<hbm>>
        tpu.enqueue_dma source(%dma_start3A_333 : memref<8x128xi32, #tpu.memory_space<hbm>>) target(%arg12 : memref<8x128xi32, #tpu.memory_space<vmem>>) target_semaphore(%run_scoped3A_329 : memref<!tpu.dma_semaphore, #tpu.memory_space<semaphore_mem>>)
        %dma_wait3A_334 = arith.constant 0 : i32
        %dma_wait3A_335 = tpu.memref_slice %arg2[%add3A_52, %dma_wait3A_334] : memref<2560x128xi32, #tpu.memory_space<hbm>> -> memref<8x128xi32, #tpu.memory_space<hbm>>
        %dma_wait3A_336 = arith.constant 0 : i32
        %dma_wait3A_337 = tpu.memref_slice %arg2[%add3A_52, %dma_wait3A_336] : memref<2560x128xi32, #tpu.memory_space<hbm>> -> memref<8x128xi32, #tpu.memory_space<hbm>>
        tpu.wait_dma2 semaphore(%run_scoped3A_329 : memref<!tpu.dma_semaphore, #tpu.memory_space<semaphore_mem>>) src(%dma_wait3A_337 : memref<8x128xi32, #tpu.memory_space<hbm>>) dst(%arg12 : memref<8x128xi32, #tpu.memory_space<vmem>>)
        tpu.yield
      }) : () -> ()
      %mul3A_53 = arith.constant 128 : i32
      %mul3A_54 = arith.muli %add3A_17, %mul3A_53 : i32
      %mul3A_55 = arith.constant 1024 : i32
      %mul3A_56 = arith.muli %add3A_49, %mul3A_55 : i32
      %add3A_57 = arith.addi %mul3A_54, %mul3A_56 : i32
      "tpu.region"() ({
        %run_scoped3A_329 = tpu.sem_alloc : memref<!tpu.dma_semaphore, #tpu.memory_space<semaphore_mem>>
        %dma_start3A_330 = tpu.memref_slice %arg3[%add3A_57] : memref<327680xi32, #tpu.memory_space<hbm>> -> memref<1024xi32, #tpu.memory_space<hbm>>
        %dma_start3A_331 = tpu.memref_slice %arg3[%add3A_57] : memref<327680xi32, #tpu.memory_space<hbm>> -> memref<1024xi32, #tpu.memory_space<hbm>>
        tpu.enqueue_dma source(%dma_start3A_331 : memref<1024xi32, #tpu.memory_space<hbm>>) target(%arg13 : memref<1024xi32, #tpu.memory_space<vmem>>) target_semaphore(%run_scoped3A_329 : memref<!tpu.dma_semaphore, #tpu.memory_space<semaphore_mem>>)
        %dma_wait3A_332 = tpu.memref_slice %arg3[%add3A_57] : memref<327680xi32, #tpu.memory_space<hbm>> -> memref<1024xi32, #tpu.memory_space<hbm>>
        %dma_wait3A_333 = tpu.memref_slice %arg3[%add3A_57] : memref<327680xi32, #tpu.memory_space<hbm>> -> memref<1024xi32, #tpu.memory_space<hbm>>
        tpu.wait_dma2 semaphore(%run_scoped3A_329 : memref<!tpu.dma_semaphore, #tpu.memory_space<semaphore_mem>>) src(%dma_wait3A_333 : memref<1024xi32, #tpu.memory_space<hbm>>) dst(%arg13 : memref<1024xi32, #tpu.memory_space<vmem>>)
        tpu.yield
      }) : () -> ()
      %mul3A_58 = arith.constant 128 : i32
      %mul3A_59 = arith.muli %add3A_17, %mul3A_58 : i32
      %mul3A_60 = arith.constant 1024 : i32
      %mul3A_61 = arith.muli %add3A_49, %mul3A_60 : i32
      %add3A_62 = arith.addi %mul3A_59, %mul3A_61 : i32
      "tpu.region"() ({
        %run_scoped3A_329 = tpu.sem_alloc : memref<!tpu.dma_semaphore, #tpu.memory_space<semaphore_mem>>
        %dma_start3A_330 = tpu.memref_slice %arg4[%add3A_62] : memref<327680xi32, #tpu.memory_space<hbm>> -> memref<1024xi32, #tpu.memory_space<hbm>>
        %dma_start3A_331 = tpu.memref_slice %arg4[%add3A_62] : memref<327680xi32, #tpu.memory_space<hbm>> -> memref<1024xi32, #tpu.memory_space<hbm>>
        tpu.enqueue_dma source(%dma_start3A_331 : memref<1024xi32, #tpu.memory_space<hbm>>) target(%arg14 : memref<1024xi32, #tpu.memory_space<vmem>>) target_semaphore(%run_scoped3A_329 : memref<!tpu.dma_semaphore, #tpu.memory_space<semaphore_mem>>)
        %dma_wait3A_332 = tpu.memref_slice %arg4[%add3A_62] : memref<327680xi32, #tpu.memory_space<hbm>> -> memref<1024xi32, #tpu.memory_space<hbm>>
        %dma_wait3A_333 = tpu.memref_slice %arg4[%add3A_62] : memref<327680xi32, #tpu.memory_space<hbm>> -> memref<1024xi32, #tpu.memory_space<hbm>>
        tpu.wait_dma2 semaphore(%run_scoped3A_329 : memref<!tpu.dma_semaphore, #tpu.memory_space<semaphore_mem>>) src(%dma_wait3A_333 : memref<1024xi32, #tpu.memory_space<hbm>>) dst(%arg14 : memref<1024xi32, #tpu.memory_space<vmem>>)
        tpu.yield
      }) : () -> ()
      %dma_start3A = arith.constant 0 : i32
      %dma_start3A_63 = arith.constant 0 : i32
      %dma_start3A_64 = tpu.memref_slice %arg15[%dma_start3A, %dma_start3A_63] : memref<128x128xf32, #tpu.memory_space<vmem>> -> memref<64x128xf32, #tpu.memory_space<vmem>>
      %dma_start3A_65 = arith.constant 0 : i32
      %dma_start3A_66 = tpu.memref_slice %arg13[%dma_start3A_65] : memref<1024xi32, #tpu.memory_space<vmem>> -> memref<64xi32, #tpu.memory_space<vmem>>
      %dma_start3A_67 = arith.constant 0 : i32
      %dma_start3A_68 = arith.constant 0 : i32
      %dma_start3A_69 = tpu.memref_slice %arg5[%dma_start3A_67, %dma_start3A_68] : memref<10000x128xf32, #tpu.memory_space<hbm>> -> memref<10000x128xf32, #tpu.memory_space<hbm>>
      tpu.enqueue_indirect_dma source(%dma_start3A_69 : memref<10000x128xf32, #tpu.memory_space<hbm>>) target(%dma_start3A_64 : memref<64x128xf32, #tpu.memory_space<vmem>>) offsets(%dma_start3A_66 : memref<64xi32, #tpu.memory_space<vmem>>) semaphore(%arg19 : memref<!tpu.dma_semaphore, #tpu.memory_space<semaphore_mem>>)
      %dma_start3A_70 = arith.constant 64 : i32
      %dma_start3A_71 = arith.constant 0 : i32
      %dma_start3A_72 = tpu.memref_slice %arg15[%dma_start3A_70, %dma_start3A_71] : memref<128x128xf32, #tpu.memory_space<vmem>> -> memref<64x128xf32, #tpu.memory_space<vmem>>
      %dma_start3A_73 = arith.constant 64 : i32
      %dma_start3A_74 = tpu.memref_slice %arg13[%dma_start3A_73] : memref<1024xi32, #tpu.memory_space<vmem>> -> memref<64xi32, #tpu.memory_space<vmem>>
      %dma_start3A_75 = arith.constant 0 : i32
      %dma_start3A_76 = arith.constant 0 : i32
      %dma_start3A_77 = tpu.memref_slice %arg5[%dma_start3A_75, %dma_start3A_76] : memref<10000x128xf32, #tpu.memory_space<hbm>> -> memref<10000x128xf32, #tpu.memory_space<hbm>>
      tpu.enqueue_indirect_dma source(%dma_start3A_77 : memref<10000x128xf32, #tpu.memory_space<hbm>>) target(%dma_start3A_72 : memref<64x128xf32, #tpu.memory_space<vmem>>) offsets(%dma_start3A_74 : memref<64xi32, #tpu.memory_space<vmem>>) semaphore(%arg20 : memref<!tpu.dma_semaphore, #tpu.memory_space<semaphore_mem>>)
      %dma_start3A_78 = arith.constant 0 : i32
      %dma_start3A_79 = arith.constant 0 : i32
      %dma_start3A_80 = tpu.memref_slice %arg16[%dma_start3A_78, %dma_start3A_79] : memref<128x128xf32, #tpu.memory_space<vmem>> -> memref<64x128xf32, #tpu.memory_space<vmem>>
      %dma_start3A_81 = arith.constant 128 : i32
      %dma_start3A_82 = tpu.memref_slice %arg13[%dma_start3A_81] : memref<1024xi32, #tpu.memory_space<vmem>> -> memref<64xi32, #tpu.memory_space<vmem>>
      %dma_start3A_83 = arith.constant 0 : i32
      %dma_start3A_84 = arith.constant 0 : i32
      %dma_start3A_85 = tpu.memref_slice %arg5[%dma_start3A_83, %dma_start3A_84] : memref<10000x128xf32, #tpu.memory_space<hbm>> -> memref<10000x128xf32, #tpu.memory_space<hbm>>
      tpu.enqueue_indirect_dma source(%dma_start3A_85 : memref<10000x128xf32, #tpu.memory_space<hbm>>) target(%dma_start3A_80 : memref<64x128xf32, #tpu.memory_space<vmem>>) offsets(%dma_start3A_82 : memref<64xi32, #tpu.memory_space<vmem>>) semaphore(%arg21 : memref<!tpu.dma_semaphore, #tpu.memory_space<semaphore_mem>>)
      %dma_start3A_86 = arith.constant 64 : i32
      %dma_start3A_87 = arith.constant 0 : i32
      %dma_start3A_88 = tpu.memref_slice %arg16[%dma_start3A_86, %dma_start3A_87] : memref<128x128xf32, #tpu.memory_space<vmem>> -> memref<64x128xf32, #tpu.memory_space<vmem>>
      %dma_start3A_89 = arith.constant 192 : i32
      %dma_start3A_90 = tpu.memref_slice %arg13[%dma_start3A_89] : memref<1024xi32, #tpu.memory_space<vmem>> -> memref<64xi32, #tpu.memory_space<vmem>>
      %dma_start3A_91 = arith.constant 0 : i32
      %dma_start3A_92 = arith.constant 0 : i32
      %dma_start3A_93 = tpu.memref_slice %arg5[%dma_start3A_91, %dma_start3A_92] : memref<10000x128xf32, #tpu.memory_space<hbm>> -> memref<10000x128xf32, #tpu.memory_space<hbm>>
      tpu.enqueue_indirect_dma source(%dma_start3A_93 : memref<10000x128xf32, #tpu.memory_space<hbm>>) target(%dma_start3A_88 : memref<64x128xf32, #tpu.memory_space<vmem>>) offsets(%dma_start3A_90 : memref<64xi32, #tpu.memory_space<vmem>>) semaphore(%arg22 : memref<!tpu.dma_semaphore, #tpu.memory_space<semaphore_mem>>)
      %dma_wait3A = arith.constant 0 : i32
      %dma_wait3A_94 = arith.constant 0 : i32
      %dma_wait3A_95 = tpu.memref_slice %arg15[%dma_wait3A, %dma_wait3A_94] : memref<128x128xf32, #tpu.memory_space<vmem>> -> memref<64x128xf32, #tpu.memory_space<vmem>>
      %dma_wait3A_96 = arith.constant 0 : i32
      %dma_wait3A_97 = tpu.memref_slice %arg13[%dma_wait3A_96] : memref<1024xi32, #tpu.memory_space<vmem>> -> memref<64xi32, #tpu.memory_space<vmem>>
      %dma_wait3A_98 = arith.constant 0 : i32
      %dma_wait3A_99 = arith.constant 0 : i32
      %dma_wait3A_100 = tpu.memref_slice %arg5[%dma_wait3A_98, %dma_wait3A_99] : memref<10000x128xf32, #tpu.memory_space<hbm>> -> memref<10000x128xf32, #tpu.memory_space<hbm>>
      tpu.wait_indirect_dma semaphore(%arg19 : memref<!tpu.dma_semaphore, #tpu.memory_space<semaphore_mem>>) src(%dma_wait3A_100 : memref<10000x128xf32, #tpu.memory_space<hbm>>) dst(%dma_wait3A_95 : memref<64x128xf32, #tpu.memory_space<vmem>>)
      %dma_wait3A_101 = arith.constant 64 : i32
      %dma_wait3A_102 = arith.constant 0 : i32
      %dma_wait3A_103 = tpu.memref_slice %arg15[%dma_wait3A_101, %dma_wait3A_102] : memref<128x128xf32, #tpu.memory_space<vmem>> -> memref<64x128xf32, #tpu.memory_space<vmem>>
      %dma_wait3A_104 = arith.constant 64 : i32
      %dma_wait3A_105 = tpu.memref_slice %arg13[%dma_wait3A_104] : memref<1024xi32, #tpu.memory_space<vmem>> -> memref<64xi32, #tpu.memory_space<vmem>>
      %dma_wait3A_106 = arith.constant 0 : i32
      %dma_wait3A_107 = arith.constant 0 : i32
      %dma_wait3A_108 = tpu.memref_slice %arg5[%dma_wait3A_106, %dma_wait3A_107] : memref<10000x128xf32, #tpu.memory_space<hbm>> -> memref<10000x128xf32, #tpu.memory_space<hbm>>
      tpu.wait_indirect_dma semaphore(%arg20 : memref<!tpu.dma_semaphore, #tpu.memory_space<semaphore_mem>>) src(%dma_wait3A_108 : memref<10000x128xf32, #tpu.memory_space<hbm>>) dst(%dma_wait3A_103 : memref<64x128xf32, #tpu.memory_space<vmem>>)
      %run_scoped3A = arith.constant 0 : i32
      "tpu.region"() ({
        %run_scoped3A_329 = tpu.sem_alloc : memref<!tpu.dma_semaphore, #tpu.memory_space<semaphore_mem>>
        %dma_start3A_330 = arith.constant 0 : i32
        %dma_start3A_331 = tpu.memref_slice %arg12[%run_scoped3A, %dma_start3A_330] : memref<8x128xi32, #tpu.memory_space<vmem>> -> memref<1x128xi32, #tpu.memory_space<vmem>>
        %dma_start3A_332 = tpu.memref_squeeze %dma_start3A_331 : memref<1x128xi32, #tpu.memory_space<vmem>> -> memref<128xi32, #tpu.memory_space<vmem>>
        %dma_start3A_333 = arith.constant 0 : i32
        %dma_start3A_334 = arith.constant 0 : i32
        %dma_start3A_335 = tpu.memref_slice %arg18[%dma_start3A_333, %dma_start3A_334] : memref<10240x128xf32, #tpu.memory_space<vmem_shared>> -> memref<10240x128xf32, #tpu.memory_space<vmem_shared>>
        tpu.enqueue_indirect_dma source(%arg15 : memref<128x128xf32, #tpu.memory_space<vmem>>) target(%dma_start3A_335 : memref<10240x128xf32, #tpu.memory_space<vmem_shared>>) offsets(%dma_start3A_332 : memref<128xi32, #tpu.memory_space<vmem>>) semaphore(%run_scoped3A_329 : memref<!tpu.dma_semaphore, #tpu.memory_space<semaphore_mem>>) {add = true}
        %dma_wait3A_336 = arith.constant 0 : i32
        %dma_wait3A_337 = tpu.memref_slice %arg12[%run_scoped3A, %dma_wait3A_336] : memref<8x128xi32, #tpu.memory_space<vmem>> -> memref<1x128xi32, #tpu.memory_space<vmem>>
        %dma_wait3A_338 = tpu.memref_squeeze %dma_wait3A_337 : memref<1x128xi32, #tpu.memory_space<vmem>> -> memref<128xi32, #tpu.memory_space<vmem>>
        %dma_wait3A_339 = arith.constant 0 : i32
        %dma_wait3A_340 = arith.constant 0 : i32
        %dma_wait3A_341 = tpu.memref_slice %arg18[%dma_wait3A_339, %dma_wait3A_340] : memref<10240x128xf32, #tpu.memory_space<vmem_shared>> -> memref<10240x128xf32, #tpu.memory_space<vmem_shared>>
        tpu.wait_indirect_dma semaphore(%run_scoped3A_329 : memref<!tpu.dma_semaphore, #tpu.memory_space<semaphore_mem>>) src(%arg15 : memref<128x128xf32, #tpu.memory_space<vmem>>) dst(%dma_wait3A_341 : memref<10240x128xf32, #tpu.memory_space<vmem_shared>>)
        tpu.yield
      }) : () -> ()
      %dma_start3A_109 = arith.constant 0 : i32
      %dma_start3A_110 = arith.constant 0 : i32
      %dma_start3A_111 = tpu.memref_slice %arg15[%dma_start3A_109, %dma_start3A_110] : memref<128x128xf32, #tpu.memory_space<vmem>> -> memref<64x128xf32, #tpu.memory_space<vmem>>
      %dma_start3A_112 = arith.constant 256 : i32
      %dma_start3A_113 = tpu.memref_slice %arg13[%dma_start3A_112] : memref<1024xi32, #tpu.memory_space<vmem>> -> memref<64xi32, #tpu.memory_space<vmem>>
      %dma_start3A_114 = arith.constant 0 : i32
      %dma_start3A_115 = arith.constant 0 : i32
      %dma_start3A_116 = tpu.memref_slice %arg5[%dma_start3A_114, %dma_start3A_115] : memref<10000x128xf32, #tpu.memory_space<hbm>> -> memref<10000x128xf32, #tpu.memory_space<hbm>>
      tpu.enqueue_indirect_dma source(%dma_start3A_116 : memref<10000x128xf32, #tpu.memory_space<hbm>>) target(%dma_start3A_111 : memref<64x128xf32, #tpu.memory_space<vmem>>) offsets(%dma_start3A_113 : memref<64xi32, #tpu.memory_space<vmem>>) semaphore(%arg19 : memref<!tpu.dma_semaphore, #tpu.memory_space<semaphore_mem>>)
      %dma_start3A_117 = arith.constant 64 : i32
      %dma_start3A_118 = arith.constant 0 : i32
      %dma_start3A_119 = tpu.memref_slice %arg15[%dma_start3A_117, %dma_start3A_118] : memref<128x128xf32, #tpu.memory_space<vmem>> -> memref<64x128xf32, #tpu.memory_space<vmem>>
      %dma_start3A_120 = arith.constant 320 : i32
      %dma_start3A_121 = tpu.memref_slice %arg13[%dma_start3A_120] : memref<1024xi32, #tpu.memory_space<vmem>> -> memref<64xi32, #tpu.memory_space<vmem>>
      %dma_start3A_122 = arith.constant 0 : i32
      %dma_start3A_123 = arith.constant 0 : i32
      %dma_start3A_124 = tpu.memref_slice %arg5[%dma_start3A_122, %dma_start3A_123] : memref<10000x128xf32, #tpu.memory_space<hbm>> -> memref<10000x128xf32, #tpu.memory_space<hbm>>
      tpu.enqueue_indirect_dma source(%dma_start3A_124 : memref<10000x128xf32, #tpu.memory_space<hbm>>) target(%dma_start3A_119 : memref<64x128xf32, #tpu.memory_space<vmem>>) offsets(%dma_start3A_121 : memref<64xi32, #tpu.memory_space<vmem>>) semaphore(%arg20 : memref<!tpu.dma_semaphore, #tpu.memory_space<semaphore_mem>>)
      %dma_wait3A_125 = arith.constant 0 : i32
      %dma_wait3A_126 = arith.constant 0 : i32
      %dma_wait3A_127 = tpu.memref_slice %arg16[%dma_wait3A_125, %dma_wait3A_126] : memref<128x128xf32, #tpu.memory_space<vmem>> -> memref<64x128xf32, #tpu.memory_space<vmem>>
      %dma_wait3A_128 = arith.constant 128 : i32
      %dma_wait3A_129 = tpu.memref_slice %arg13[%dma_wait3A_128] : memref<1024xi32, #tpu.memory_space<vmem>> -> memref<64xi32, #tpu.memory_space<vmem>>
      %dma_wait3A_130 = arith.constant 0 : i32
      %dma_wait3A_131 = arith.constant 0 : i32
      %dma_wait3A_132 = tpu.memref_slice %arg5[%dma_wait3A_130, %dma_wait3A_131] : memref<10000x128xf32, #tpu.memory_space<hbm>> -> memref<10000x128xf32, #tpu.memory_space<hbm>>
      tpu.wait_indirect_dma semaphore(%arg21 : memref<!tpu.dma_semaphore, #tpu.memory_space<semaphore_mem>>) src(%dma_wait3A_132 : memref<10000x128xf32, #tpu.memory_space<hbm>>) dst(%dma_wait3A_127 : memref<64x128xf32, #tpu.memory_space<vmem>>)
      %dma_wait3A_133 = arith.constant 64 : i32
      %dma_wait3A_134 = arith.constant 0 : i32
      %dma_wait3A_135 = tpu.memref_slice %arg16[%dma_wait3A_133, %dma_wait3A_134] : memref<128x128xf32, #tpu.memory_space<vmem>> -> memref<64x128xf32, #tpu.memory_space<vmem>>
      %dma_wait3A_136 = arith.constant 192 : i32
      %dma_wait3A_137 = tpu.memref_slice %arg13[%dma_wait3A_136] : memref<1024xi32, #tpu.memory_space<vmem>> -> memref<64xi32, #tpu.memory_space<vmem>>
      %dma_wait3A_138 = arith.constant 0 : i32
      %dma_wait3A_139 = arith.constant 0 : i32
      %dma_wait3A_140 = tpu.memref_slice %arg5[%dma_wait3A_138, %dma_wait3A_139] : memref<10000x128xf32, #tpu.memory_space<hbm>> -> memref<10000x128xf32, #tpu.memory_space<hbm>>
      tpu.wait_indirect_dma semaphore(%arg22 : memref<!tpu.dma_semaphore, #tpu.memory_space<semaphore_mem>>) src(%dma_wait3A_140 : memref<10000x128xf32, #tpu.memory_space<hbm>>) dst(%dma_wait3A_135 : memref<64x128xf32, #tpu.memory_space<vmem>>)
      %run_scoped3A_141 = arith.constant 1 : i32
      "tpu.region"() ({
        %run_scoped3A_329 = tpu.sem_alloc : memref<!tpu.dma_semaphore, #tpu.memory_space<semaphore_mem>>
        %dma_start3A_330 = arith.constant 0 : i32
        %dma_start3A_331 = tpu.memref_slice %arg12[%run_scoped3A_141, %dma_start3A_330] : memref<8x128xi32, #tpu.memory_space<vmem>> -> memref<1x128xi32, #tpu.memory_space<vmem>>
        %dma_start3A_332 = tpu.memref_squeeze %dma_start3A_331 : memref<1x128xi32, #tpu.memory_space<vmem>> -> memref<128xi32, #tpu.memory_space<vmem>>
        %dma_start3A_333 = arith.constant 0 : i32
        %dma_start3A_334 = arith.constant 0 : i32
        %dma_start3A_335 = tpu.memref_slice %arg18[%dma_start3A_333, %dma_start3A_334] : memref<10240x128xf32, #tpu.memory_space<vmem_shared>> -> memref<10240x128xf32, #tpu.memory_space<vmem_shared>>
        tpu.enqueue_indirect_dma source(%arg16 : memref<128x128xf32, #tpu.memory_space<vmem>>) target(%dma_start3A_335 : memref<10240x128xf32, #tpu.memory_space<vmem_shared>>) offsets(%dma_start3A_332 : memref<128xi32, #tpu.memory_space<vmem>>) semaphore(%run_scoped3A_329 : memref<!tpu.dma_semaphore, #tpu.memory_space<semaphore_mem>>) {add = true}
        %dma_wait3A_336 = arith.constant 0 : i32
        %dma_wait3A_337 = tpu.memref_slice %arg12[%run_scoped3A_141, %dma_wait3A_336] : memref<8x128xi32, #tpu.memory_space<vmem>> -> memref<1x128xi32, #tpu.memory_space<vmem>>
        %dma_wait3A_338 = tpu.memref_squeeze %dma_wait3A_337 : memref<1x128xi32, #tpu.memory_space<vmem>> -> memref<128xi32, #tpu.memory_space<vmem>>
        %dma_wait3A_339 = arith.constant 0 : i32
        %dma_wait3A_340 = arith.constant 0 : i32
        %dma_wait3A_341 = tpu.memref_slice %arg18[%dma_wait3A_339, %dma_wait3A_340] : memref<10240x128xf32, #tpu.memory_space<vmem_shared>> -> memref<10240x128xf32, #tpu.memory_space<vmem_shared>>
        tpu.wait_indirect_dma semaphore(%run_scoped3A_329 : memref<!tpu.dma_semaphore, #tpu.memory_space<semaphore_mem>>) src(%arg16 : memref<128x128xf32, #tpu.memory_space<vmem>>) dst(%dma_wait3A_341 : memref<10240x128xf32, #tpu.memory_space<vmem_shared>>)
        tpu.yield
      }) : () -> ()
      %dma_start3A_142 = arith.constant 0 : i32
      %dma_start3A_143 = arith.constant 0 : i32
      %dma_start3A_144 = tpu.memref_slice %arg16[%dma_start3A_142, %dma_start3A_143] : memref<128x128xf32, #tpu.memory_space<vmem>> -> memref<64x128xf32, #tpu.memory_space<vmem>>
      %dma_start3A_145 = arith.constant 384 : i32
      %dma_start3A_146 = tpu.memref_slice %arg13[%dma_start3A_145] : memref<1024xi32, #tpu.memory_space<vmem>> -> memref<64xi32, #tpu.memory_space<vmem>>
      %dma_start3A_147 = arith.constant 0 : i32
      %dma_start3A_148 = arith.constant 0 : i32
      %dma_start3A_149 = tpu.memref_slice %arg5[%dma_start3A_147, %dma_start3A_148] : memref<10000x128xf32, #tpu.memory_space<hbm>> -> memref<10000x128xf32, #tpu.memory_space<hbm>>
      tpu.enqueue_indirect_dma source(%dma_start3A_149 : memref<10000x128xf32, #tpu.memory_space<hbm>>) target(%dma_start3A_144 : memref<64x128xf32, #tpu.memory_space<vmem>>) offsets(%dma_start3A_146 : memref<64xi32, #tpu.memory_space<vmem>>) semaphore(%arg21 : memref<!tpu.dma_semaphore, #tpu.memory_space<semaphore_mem>>)
      %dma_start3A_150 = arith.constant 64 : i32
      %dma_start3A_151 = arith.constant 0 : i32
      %dma_start3A_152 = tpu.memref_slice %arg16[%dma_start3A_150, %dma_start3A_151] : memref<128x128xf32, #tpu.memory_space<vmem>> -> memref<64x128xf32, #tpu.memory_space<vmem>>
      %dma_start3A_153 = arith.constant 448 : i32
      %dma_start3A_154 = tpu.memref_slice %arg13[%dma_start3A_153] : memref<1024xi32, #tpu.memory_space<vmem>> -> memref<64xi32, #tpu.memory_space<vmem>>
      %dma_start3A_155 = arith.constant 0 : i32
      %dma_start3A_156 = arith.constant 0 : i32
      %dma_start3A_157 = tpu.memref_slice %arg5[%dma_start3A_155, %dma_start3A_156] : memref<10000x128xf32, #tpu.memory_space<hbm>> -> memref<10000x128xf32, #tpu.memory_space<hbm>>
      tpu.enqueue_indirect_dma source(%dma_start3A_157 : memref<10000x128xf32, #tpu.memory_space<hbm>>) target(%dma_start3A_152 : memref<64x128xf32, #tpu.memory_space<vmem>>) offsets(%dma_start3A_154 : memref<64xi32, #tpu.memory_space<vmem>>) semaphore(%arg22 : memref<!tpu.dma_semaphore, #tpu.memory_space<semaphore_mem>>)
      %dma_wait3A_158 = arith.constant 0 : i32
      %dma_wait3A_159 = arith.constant 0 : i32
      %dma_wait3A_160 = tpu.memref_slice %arg15[%dma_wait3A_158, %dma_wait3A_159] : memref<128x128xf32, #tpu.memory_space<vmem>> -> memref<64x128xf32, #tpu.memory_space<vmem>>
      %dma_wait3A_161 = arith.constant 256 : i32
      %dma_wait3A_162 = tpu.memref_slice %arg13[%dma_wait3A_161] : memref<1024xi32, #tpu.memory_space<vmem>> -> memref<64xi32, #tpu.memory_space<vmem>>
      %dma_wait3A_163 = arith.constant 0 : i32
      %dma_wait3A_164 = arith.constant 0 : i32
      %dma_wait3A_165 = tpu.memref_slice %arg5[%dma_wait3A_163, %dma_wait3A_164] : memref<10000x128xf32, #tpu.memory_space<hbm>> -> memref<10000x128xf32, #tpu.memory_space<hbm>>
      tpu.wait_indirect_dma semaphore(%arg19 : memref<!tpu.dma_semaphore, #tpu.memory_space<semaphore_mem>>) src(%dma_wait3A_165 : memref<10000x128xf32, #tpu.memory_space<hbm>>) dst(%dma_wait3A_160 : memref<64x128xf32, #tpu.memory_space<vmem>>)
      %dma_wait3A_166 = arith.constant 64 : i32
      %dma_wait3A_167 = arith.constant 0 : i32
      %dma_wait3A_168 = tpu.memref_slice %arg15[%dma_wait3A_166, %dma_wait3A_167] : memref<128x128xf32, #tpu.memory_space<vmem>> -> memref<64x128xf32, #tpu.memory_space<vmem>>
      %dma_wait3A_169 = arith.constant 320 : i32
      %dma_wait3A_170 = tpu.memref_slice %arg13[%dma_wait3A_169] : memref<1024xi32, #tpu.memory_space<vmem>> -> memref<64xi32, #tpu.memory_space<vmem>>
      %dma_wait3A_171 = arith.constant 0 : i32
      %dma_wait3A_172 = arith.constant 0 : i32
      %dma_wait3A_173 = tpu.memref_slice %arg5[%dma_wait3A_171, %dma_wait3A_172] : memref<10000x128xf32, #tpu.memory_space<hbm>> -> memref<10000x128xf32, #tpu.memory_space<hbm>>
      tpu.wait_indirect_dma semaphore(%arg20 : memref<!tpu.dma_semaphore, #tpu.memory_space<semaphore_mem>>) src(%dma_wait3A_173 : memref<10000x128xf32, #tpu.memory_space<hbm>>) dst(%dma_wait3A_168 : memref<64x128xf32, #tpu.memory_space<vmem>>)
      %run_scoped3A_174 = arith.constant 2 : i32
      "tpu.region"() ({
        %run_scoped3A_329 = tpu.sem_alloc : memref<!tpu.dma_semaphore, #tpu.memory_space<semaphore_mem>>
        %dma_start3A_330 = arith.constant 0 : i32
        %dma_start3A_331 = tpu.memref_slice %arg12[%run_scoped3A_174, %dma_start3A_330] : memref<8x128xi32, #tpu.memory_space<vmem>> -> memref<1x128xi32, #tpu.memory_space<vmem>>
        %dma_start3A_332 = tpu.memref_squeeze %dma_start3A_331 : memref<1x128xi32, #tpu.memory_space<vmem>> -> memref<128xi32, #tpu.memory_space<vmem>>
        %dma_start3A_333 = arith.constant 0 : i32
        %dma_start3A_334 = arith.constant 0 : i32
        %dma_start3A_335 = tpu.memref_slice %arg18[%dma_start3A_333, %dma_start3A_334] : memref<10240x128xf32, #tpu.memory_space<vmem_shared>> -> memref<10240x128xf32, #tpu.memory_space<vmem_shared>>
        tpu.enqueue_indirect_dma source(%arg15 : memref<128x128xf32, #tpu.memory_space<vmem>>) target(%dma_start3A_335 : memref<10240x128xf32, #tpu.memory_space<vmem_shared>>) offsets(%dma_start3A_332 : memref<128xi32, #tpu.memory_space<vmem>>) semaphore(%run_scoped3A_329 : memref<!tpu.dma_semaphore, #tpu.memory_space<semaphore_mem>>) {add = true}
        %dma_wait3A_336 = arith.constant 0 : i32
        %dma_wait3A_337 = tpu.memref_slice %arg12[%run_scoped3A_174, %dma_wait3A_336] : memref<8x128xi32, #tpu.memory_space<vmem>> -> memref<1x128xi32, #tpu.memory_space<vmem>>
        %dma_wait3A_338 = tpu.memref_squeeze %dma_wait3A_337 : memref<1x128xi32, #tpu.memory_space<vmem>> -> memref<128xi32, #tpu.memory_space<vmem>>
        %dma_wait3A_339 = arith.constant 0 : i32
        %dma_wait3A_340 = arith.constant 0 : i32
        %dma_wait3A_341 = tpu.memref_slice %arg18[%dma_wait3A_339, %dma_wait3A_340] : memref<10240x128xf32, #tpu.memory_space<vmem_shared>> -> memref<10240x128xf32, #tpu.memory_space<vmem_shared>>
        tpu.wait_indirect_dma semaphore(%run_scoped3A_329 : memref<!tpu.dma_semaphore, #tpu.memory_space<semaphore_mem>>) src(%arg15 : memref<128x128xf32, #tpu.memory_space<vmem>>) dst(%dma_wait3A_341 : memref<10240x128xf32, #tpu.memory_space<vmem_shared>>)
        tpu.yield
      }) : () -> ()
      %dma_start3A_175 = arith.constant 0 : i32
      %dma_start3A_176 = arith.constant 0 : i32
      %dma_start3A_177 = tpu.memref_slice %arg15[%dma_start3A_175, %dma_start3A_176] : memref<128x128xf32, #tpu.memory_space<vmem>> -> memref<64x128xf32, #tpu.memory_space<vmem>>
      %dma_start3A_178 = arith.constant 512 : i32
      %dma_start3A_179 = tpu.memref_slice %arg13[%dma_start3A_178] : memref<1024xi32, #tpu.memory_space<vmem>> -> memref<64xi32, #tpu.memory_space<vmem>>
      %dma_start3A_180 = arith.constant 0 : i32
      %dma_start3A_181 = arith.constant 0 : i32
      %dma_start3A_182 = tpu.memref_slice %arg5[%dma_start3A_180, %dma_start3A_181] : memref<10000x128xf32, #tpu.memory_space<hbm>> -> memref<10000x128xf32, #tpu.memory_space<hbm>>
      tpu.enqueue_indirect_dma source(%dma_start3A_182 : memref<10000x128xf32, #tpu.memory_space<hbm>>) target(%dma_start3A_177 : memref<64x128xf32, #tpu.memory_space<vmem>>) offsets(%dma_start3A_179 : memref<64xi32, #tpu.memory_space<vmem>>) semaphore(%arg19 : memref<!tpu.dma_semaphore, #tpu.memory_space<semaphore_mem>>)
      %dma_start3A_183 = arith.constant 64 : i32
      %dma_start3A_184 = arith.constant 0 : i32
      %dma_start3A_185 = tpu.memref_slice %arg15[%dma_start3A_183, %dma_start3A_184] : memref<128x128xf32, #tpu.memory_space<vmem>> -> memref<64x128xf32, #tpu.memory_space<vmem>>
      %dma_start3A_186 = arith.constant 576 : i32
      %dma_start3A_187 = tpu.memref_slice %arg13[%dma_start3A_186] : memref<1024xi32, #tpu.memory_space<vmem>> -> memref<64xi32, #tpu.memory_space<vmem>>
      %dma_start3A_188 = arith.constant 0 : i32
      %dma_start3A_189 = arith.constant 0 : i32
      %dma_start3A_190 = tpu.memref_slice %arg5[%dma_start3A_188, %dma_start3A_189] : memref<10000x128xf32, #tpu.memory_space<hbm>> -> memref<10000x128xf32, #tpu.memory_space<hbm>>
      tpu.enqueue_indirect_dma source(%dma_start3A_190 : memref<10000x128xf32, #tpu.memory_space<hbm>>) target(%dma_start3A_185 : memref<64x128xf32, #tpu.memory_space<vmem>>) offsets(%dma_start3A_187 : memref<64xi32, #tpu.memory_space<vmem>>) semaphore(%arg20 : memref<!tpu.dma_semaphore, #tpu.memory_space<semaphore_mem>>)
      %dma_wait3A_191 = arith.constant 0 : i32
      %dma_wait3A_192 = arith.constant 0 : i32
      %dma_wait3A_193 = tpu.memref_slice %arg16[%dma_wait3A_191, %dma_wait3A_192] : memref<128x128xf32, #tpu.memory_space<vmem>> -> memref<64x128xf32, #tpu.memory_space<vmem>>
      %dma_wait3A_194 = arith.constant 384 : i32
      %dma_wait3A_195 = tpu.memref_slice %arg13[%dma_wait3A_194] : memref<1024xi32, #tpu.memory_space<vmem>> -> memref<64xi32, #tpu.memory_space<vmem>>
      %dma_wait3A_196 = arith.constant 0 : i32
      %dma_wait3A_197 = arith.constant 0 : i32
      %dma_wait3A_198 = tpu.memref_slice %arg5[%dma_wait3A_196, %dma_wait3A_197] : memref<10000x128xf32, #tpu.memory_space<hbm>> -> memref<10000x128xf32, #tpu.memory_space<hbm>>
      tpu.wait_indirect_dma semaphore(%arg21 : memref<!tpu.dma_semaphore, #tpu.memory_space<semaphore_mem>>) src(%dma_wait3A_198 : memref<10000x128xf32, #tpu.memory_space<hbm>>) dst(%dma_wait3A_193 : memref<64x128xf32, #tpu.memory_space<vmem>>)
      %dma_wait3A_199 = arith.constant 64 : i32
      %dma_wait3A_200 = arith.constant 0 : i32
      %dma_wait3A_201 = tpu.memref_slice %arg16[%dma_wait3A_199, %dma_wait3A_200] : memref<128x128xf32, #tpu.memory_space<vmem>> -> memref<64x128xf32, #tpu.memory_space<vmem>>
      %dma_wait3A_202 = arith.constant 448 : i32
      %dma_wait3A_203 = tpu.memref_slice %arg13[%dma_wait3A_202] : memref<1024xi32, #tpu.memory_space<vmem>> -> memref<64xi32, #tpu.memory_space<vmem>>
      %dma_wait3A_204 = arith.constant 0 : i32
      %dma_wait3A_205 = arith.constant 0 : i32
      %dma_wait3A_206 = tpu.memref_slice %arg5[%dma_wait3A_204, %dma_wait3A_205] : memref<10000x128xf32, #tpu.memory_space<hbm>> -> memref<10000x128xf32, #tpu.memory_space<hbm>>
      tpu.wait_indirect_dma semaphore(%arg22 : memref<!tpu.dma_semaphore, #tpu.memory_space<semaphore_mem>>) src(%dma_wait3A_206 : memref<10000x128xf32, #tpu.memory_space<hbm>>) dst(%dma_wait3A_201 : memref<64x128xf32, #tpu.memory_space<vmem>>)
      %run_scoped3A_207 = arith.constant 3 : i32
      "tpu.region"() ({
        %run_scoped3A_329 = tpu.sem_alloc : memref<!tpu.dma_semaphore, #tpu.memory_space<semaphore_mem>>
        %dma_start3A_330 = arith.constant 0 : i32
        %dma_start3A_331 = tpu.memref_slice %arg12[%run_scoped3A_207, %dma_start3A_330] : memref<8x128xi32, #tpu.memory_space<vmem>> -> memref<1x128xi32, #tpu.memory_space<vmem>>
        %dma_start3A_332 = tpu.memref_squeeze %dma_start3A_331 : memref<1x128xi32, #tpu.memory_space<vmem>> -> memref<128xi32, #tpu.memory_space<vmem>>
        %dma_start3A_333 = arith.constant 0 : i32
        %dma_start3A_334 = arith.constant 0 : i32
        %dma_start3A_335 = tpu.memref_slice %arg18[%dma_start3A_333, %dma_start3A_334] : memref<10240x128xf32, #tpu.memory_space<vmem_shared>> -> memref<10240x128xf32, #tpu.memory_space<vmem_shared>>
        tpu.enqueue_indirect_dma source(%arg16 : memref<128x128xf32, #tpu.memory_space<vmem>>) target(%dma_start3A_335 : memref<10240x128xf32, #tpu.memory_space<vmem_shared>>) offsets(%dma_start3A_332 : memref<128xi32, #tpu.memory_space<vmem>>) semaphore(%run_scoped3A_329 : memref<!tpu.dma_semaphore, #tpu.memory_space<semaphore_mem>>) {add = true}
        %dma_wait3A_336 = arith.constant 0 : i32
        %dma_wait3A_337 = tpu.memref_slice %arg12[%run_scoped3A_207, %dma_wait3A_336] : memref<8x128xi32, #tpu.memory_space<vmem>> -> memref<1x128xi32, #tpu.memory_space<vmem>>
        %dma_wait3A_338 = tpu.memref_squeeze %dma_wait3A_337 : memref<1x128xi32, #tpu.memory_space<vmem>> -> memref<128xi32, #tpu.memory_space<vmem>>
        %dma_wait3A_339 = arith.constant 0 : i32
        %dma_wait3A_340 = arith.constant 0 : i32
        %dma_wait3A_341 = tpu.memref_slice %arg18[%dma_wait3A_339, %dma_wait3A_340] : memref<10240x128xf32, #tpu.memory_space<vmem_shared>> -> memref<10240x128xf32, #tpu.memory_space<vmem_shared>>
        tpu.wait_indirect_dma semaphore(%run_scoped3A_329 : memref<!tpu.dma_semaphore, #tpu.memory_space<semaphore_mem>>) src(%arg16 : memref<128x128xf32, #tpu.memory_space<vmem>>) dst(%dma_wait3A_341 : memref<10240x128xf32, #tpu.memory_space<vmem_shared>>)
        tpu.yield
      }) : () -> ()
      %dma_start3A_208 = arith.constant 0 : i32
      %dma_start3A_209 = arith.constant 0 : i32
      %dma_start3A_210 = tpu.memref_slice %arg16[%dma_start3A_208, %dma_start3A_209] : memref<128x128xf32, #tpu.memory_space<vmem>> -> memref<64x128xf32, #tpu.memory_space<vmem>>
      %dma_start3A_211 = arith.constant 640 : i32
      %dma_start3A_212 = tpu.memref_slice %arg13[%dma_start3A_211] : memref<1024xi32, #tpu.memory_space<vmem>> -> memref<64xi32, #tpu.memory_space<vmem>>
      %dma_start3A_213 = arith.constant 0 : i32
      %dma_start3A_214 = arith.constant 0 : i32
      %dma_start3A_215 = tpu.memref_slice %arg5[%dma_start3A_213, %dma_start3A_214] : memref<10000x128xf32, #tpu.memory_space<hbm>> -> memref<10000x128xf32, #tpu.memory_space<hbm>>
      tpu.enqueue_indirect_dma source(%dma_start3A_215 : memref<10000x128xf32, #tpu.memory_space<hbm>>) target(%dma_start3A_210 : memref<64x128xf32, #tpu.memory_space<vmem>>) offsets(%dma_start3A_212 : memref<64xi32, #tpu.memory_space<vmem>>) semaphore(%arg21 : memref<!tpu.dma_semaphore, #tpu.memory_space<semaphore_mem>>)
      %dma_start3A_216 = arith.constant 64 : i32
      %dma_start3A_217 = arith.constant 0 : i32
      %dma_start3A_218 = tpu.memref_slice %arg16[%dma_start3A_216, %dma_start3A_217] : memref<128x128xf32, #tpu.memory_space<vmem>> -> memref<64x128xf32, #tpu.memory_space<vmem>>
      %dma_start3A_219 = arith.constant 704 : i32
      %dma_start3A_220 = tpu.memref_slice %arg13[%dma_start3A_219] : memref<1024xi32, #tpu.memory_space<vmem>> -> memref<64xi32, #tpu.memory_space<vmem>>
      %dma_start3A_221 = arith.constant 0 : i32
      %dma_start3A_222 = arith.constant 0 : i32
      %dma_start3A_223 = tpu.memref_slice %arg5[%dma_start3A_221, %dma_start3A_222] : memref<10000x128xf32, #tpu.memory_space<hbm>> -> memref<10000x128xf32, #tpu.memory_space<hbm>>
      tpu.enqueue_indirect_dma source(%dma_start3A_223 : memref<10000x128xf32, #tpu.memory_space<hbm>>) target(%dma_start3A_218 : memref<64x128xf32, #tpu.memory_space<vmem>>) offsets(%dma_start3A_220 : memref<64xi32, #tpu.memory_space<vmem>>) semaphore(%arg22 : memref<!tpu.dma_semaphore, #tpu.memory_space<semaphore_mem>>)
      %dma_wait3A_224 = arith.constant 0 : i32
      %dma_wait3A_225 = arith.constant 0 : i32
      %dma_wait3A_226 = tpu.memref_slice %arg15[%dma_wait3A_224, %dma_wait3A_225] : memref<128x128xf32, #tpu.memory_space<vmem>> -> memref<64x128xf32, #tpu.memory_space<vmem>>
      %dma_wait3A_227 = arith.constant 512 : i32
      %dma_wait3A_228 = tpu.memref_slice %arg13[%dma_wait3A_227] : memref<1024xi32, #tpu.memory_space<vmem>> -> memref<64xi32, #tpu.memory_space<vmem>>
      %dma_wait3A_229 = arith.constant 0 : i32
      %dma_wait3A_230 = arith.constant 0 : i32
      %dma_wait3A_231 = tpu.memref_slice %arg5[%dma_wait3A_229, %dma_wait3A_230] : memref<10000x128xf32, #tpu.memory_space<hbm>> -> memref<10000x128xf32, #tpu.memory_space<hbm>>
      tpu.wait_indirect_dma semaphore(%arg19 : memref<!tpu.dma_semaphore, #tpu.memory_space<semaphore_mem>>) src(%dma_wait3A_231 : memref<10000x128xf32, #tpu.memory_space<hbm>>) dst(%dma_wait3A_226 : memref<64x128xf32, #tpu.memory_space<vmem>>)
      %dma_wait3A_232 = arith.constant 64 : i32
      %dma_wait3A_233 = arith.constant 0 : i32
      %dma_wait3A_234 = tpu.memref_slice %arg15[%dma_wait3A_232, %dma_wait3A_233] : memref<128x128xf32, #tpu.memory_space<vmem>> -> memref<64x128xf32, #tpu.memory_space<vmem>>
      %dma_wait3A_235 = arith.constant 576 : i32
      %dma_wait3A_236 = tpu.memref_slice %arg13[%dma_wait3A_235] : memref<1024xi32, #tpu.memory_space<vmem>> -> memref<64xi32, #tpu.memory_space<vmem>>
      %dma_wait3A_237 = arith.constant 0 : i32
      %dma_wait3A_238 = arith.constant 0 : i32
      %dma_wait3A_239 = tpu.memref_slice %arg5[%dma_wait3A_237, %dma_wait3A_238] : memref<10000x128xf32, #tpu.memory_space<hbm>> -> memref<10000x128xf32, #tpu.memory_space<hbm>>
      tpu.wait_indirect_dma semaphore(%arg20 : memref<!tpu.dma_semaphore, #tpu.memory_space<semaphore_mem>>) src(%dma_wait3A_239 : memref<10000x128xf32, #tpu.memory_space<hbm>>) dst(%dma_wait3A_234 : memref<64x128xf32, #tpu.memory_space<vmem>>)
      %run_scoped3A_240 = arith.constant 4 : i32
      "tpu.region"() ({
        %run_scoped3A_329 = tpu.sem_alloc : memref<!tpu.dma_semaphore, #tpu.memory_space<semaphore_mem>>
        %dma_start3A_330 = arith.constant 0 : i32
        %dma_start3A_331 = tpu.memref_slice %arg12[%run_scoped3A_240, %dma_start3A_330] : memref<8x128xi32, #tpu.memory_space<vmem>> -> memref<1x128xi32, #tpu.memory_space<vmem>>
        %dma_start3A_332 = tpu.memref_squeeze %dma_start3A_331 : memref<1x128xi32, #tpu.memory_space<vmem>> -> memref<128xi32, #tpu.memory_space<vmem>>
        %dma_start3A_333 = arith.constant 0 : i32
        %dma_start3A_334 = arith.constant 0 : i32
        %dma_start3A_335 = tpu.memref_slice %arg18[%dma_start3A_333, %dma_start3A_334] : memref<10240x128xf32, #tpu.memory_space<vmem_shared>> -> memref<10240x128xf32, #tpu.memory_space<vmem_shared>>
        tpu.enqueue_indirect_dma source(%arg15 : memref<128x128xf32, #tpu.memory_space<vmem>>) target(%dma_start3A_335 : memref<10240x128xf32, #tpu.memory_space<vmem_shared>>) offsets(%dma_start3A_332 : memref<128xi32, #tpu.memory_space<vmem>>) semaphore(%run_scoped3A_329 : memref<!tpu.dma_semaphore, #tpu.memory_space<semaphore_mem>>) {add = true}
        %dma_wait3A_336 = arith.constant 0 : i32
        %dma_wait3A_337 = tpu.memref_slice %arg12[%run_scoped3A_240, %dma_wait3A_336] : memref<8x128xi32, #tpu.memory_space<vmem>> -> memref<1x128xi32, #tpu.memory_space<vmem>>
        %dma_wait3A_338 = tpu.memref_squeeze %dma_wait3A_337 : memref<1x128xi32, #tpu.memory_space<vmem>> -> memref<128xi32, #tpu.memory_space<vmem>>
        %dma_wait3A_339 = arith.constant 0 : i32
        %dma_wait3A_340 = arith.constant 0 : i32
        %dma_wait3A_341 = tpu.memref_slice %arg18[%dma_wait3A_339, %dma_wait3A_340] : memref<10240x128xf32, #tpu.memory_space<vmem_shared>> -> memref<10240x128xf32, #tpu.memory_space<vmem_shared>>
        tpu.wait_indirect_dma semaphore(%run_scoped3A_329 : memref<!tpu.dma_semaphore, #tpu.memory_space<semaphore_mem>>) src(%arg15 : memref<128x128xf32, #tpu.memory_space<vmem>>) dst(%dma_wait3A_341 : memref<10240x128xf32, #tpu.memory_space<vmem_shared>>)
        tpu.yield
      }) : () -> ()
      %dma_start3A_241 = arith.constant 0 : i32
      %dma_start3A_242 = arith.constant 0 : i32
      %dma_start3A_243 = tpu.memref_slice %arg15[%dma_start3A_241, %dma_start3A_242] : memref<128x128xf32, #tpu.memory_space<vmem>> -> memref<64x128xf32, #tpu.memory_space<vmem>>
      %dma_start3A_244 = arith.constant 768 : i32
      %dma_start3A_245 = tpu.memref_slice %arg13[%dma_start3A_244] : memref<1024xi32, #tpu.memory_space<vmem>> -> memref<64xi32, #tpu.memory_space<vmem>>
      %dma_start3A_246 = arith.constant 0 : i32
      %dma_start3A_247 = arith.constant 0 : i32
      %dma_start3A_248 = tpu.memref_slice %arg5[%dma_start3A_246, %dma_start3A_247] : memref<10000x128xf32, #tpu.memory_space<hbm>> -> memref<10000x128xf32, #tpu.memory_space<hbm>>
      tpu.enqueue_indirect_dma source(%dma_start3A_248 : memref<10000x128xf32, #tpu.memory_space<hbm>>) target(%dma_start3A_243 : memref<64x128xf32, #tpu.memory_space<vmem>>) offsets(%dma_start3A_245 : memref<64xi32, #tpu.memory_space<vmem>>) semaphore(%arg19 : memref<!tpu.dma_semaphore, #tpu.memory_space<semaphore_mem>>)
      %dma_start3A_249 = arith.constant 64 : i32
      %dma_start3A_250 = arith.constant 0 : i32
      %dma_start3A_251 = tpu.memref_slice %arg15[%dma_start3A_249, %dma_start3A_250] : memref<128x128xf32, #tpu.memory_space<vmem>> -> memref<64x128xf32, #tpu.memory_space<vmem>>
      %dma_start3A_252 = arith.constant 832 : i32
      %dma_start3A_253 = tpu.memref_slice %arg13[%dma_start3A_252] : memref<1024xi32, #tpu.memory_space<vmem>> -> memref<64xi32, #tpu.memory_space<vmem>>
      %dma_start3A_254 = arith.constant 0 : i32
      %dma_start3A_255 = arith.constant 0 : i32
      %dma_start3A_256 = tpu.memref_slice %arg5[%dma_start3A_254, %dma_start3A_255] : memref<10000x128xf32, #tpu.memory_space<hbm>> -> memref<10000x128xf32, #tpu.memory_space<hbm>>
      tpu.enqueue_indirect_dma source(%dma_start3A_256 : memref<10000x128xf32, #tpu.memory_space<hbm>>) target(%dma_start3A_251 : memref<64x128xf32, #tpu.memory_space<vmem>>) offsets(%dma_start3A_253 : memref<64xi32, #tpu.memory_space<vmem>>) semaphore(%arg20 : memref<!tpu.dma_semaphore, #tpu.memory_space<semaphore_mem>>)
      %dma_wait3A_257 = arith.constant 0 : i32
      %dma_wait3A_258 = arith.constant 0 : i32
      %dma_wait3A_259 = tpu.memref_slice %arg16[%dma_wait3A_257, %dma_wait3A_258] : memref<128x128xf32, #tpu.memory_space<vmem>> -> memref<64x128xf32, #tpu.memory_space<vmem>>
      %dma_wait3A_260 = arith.constant 640 : i32
      %dma_wait3A_261 = tpu.memref_slice %arg13[%dma_wait3A_260] : memref<1024xi32, #tpu.memory_space<vmem>> -> memref<64xi32, #tpu.memory_space<vmem>>
      %dma_wait3A_262 = arith.constant 0 : i32
      %dma_wait3A_263 = arith.constant 0 : i32
      %dma_wait3A_264 = tpu.memref_slice %arg5[%dma_wait3A_262, %dma_wait3A_263] : memref<10000x128xf32, #tpu.memory_space<hbm>> -> memref<10000x128xf32, #tpu.memory_space<hbm>>
      tpu.wait_indirect_dma semaphore(%arg21 : memref<!tpu.dma_semaphore, #tpu.memory_space<semaphore_mem>>) src(%dma_wait3A_264 : memref<10000x128xf32, #tpu.memory_space<hbm>>) dst(%dma_wait3A_259 : memref<64x128xf32, #tpu.memory_space<vmem>>)
      %dma_wait3A_265 = arith.constant 64 : i32
      %dma_wait3A_266 = arith.constant 0 : i32
      %dma_wait3A_267 = tpu.memref_slice %arg16[%dma_wait3A_265, %dma_wait3A_266] : memref<128x128xf32, #tpu.memory_space<vmem>> -> memref<64x128xf32, #tpu.memory_space<vmem>>
      %dma_wait3A_268 = arith.constant 704 : i32
      %dma_wait3A_269 = tpu.memref_slice %arg13[%dma_wait3A_268] : memref<1024xi32, #tpu.memory_space<vmem>> -> memref<64xi32, #tpu.memory_space<vmem>>
      %dma_wait3A_270 = arith.constant 0 : i32
      %dma_wait3A_271 = arith.constant 0 : i32
      %dma_wait3A_272 = tpu.memref_slice %arg5[%dma_wait3A_270, %dma_wait3A_271] : memref<10000x128xf32, #tpu.memory_space<hbm>> -> memref<10000x128xf32, #tpu.memory_space<hbm>>
      tpu.wait_indirect_dma semaphore(%arg22 : memref<!tpu.dma_semaphore, #tpu.memory_space<semaphore_mem>>) src(%dma_wait3A_272 : memref<10000x128xf32, #tpu.memory_space<hbm>>) dst(%dma_wait3A_267 : memref<64x128xf32, #tpu.memory_space<vmem>>)
      %run_scoped3A_273 = arith.constant 5 : i32
      "tpu.region"() ({
        %run_scoped3A_329 = tpu.sem_alloc : memref<!tpu.dma_semaphore, #tpu.memory_space<semaphore_mem>>
        %dma_start3A_330 = arith.constant 0 : i32
        %dma_start3A_331 = tpu.memref_slice %arg12[%run_scoped3A_273, %dma_start3A_330] : memref<8x128xi32, #tpu.memory_space<vmem>> -> memref<1x128xi32, #tpu.memory_space<vmem>>
        %dma_start3A_332 = tpu.memref_squeeze %dma_start3A_331 : memref<1x128xi32, #tpu.memory_space<vmem>> -> memref<128xi32, #tpu.memory_space<vmem>>
        %dma_start3A_333 = arith.constant 0 : i32
        %dma_start3A_334 = arith.constant 0 : i32
        %dma_start3A_335 = tpu.memref_slice %arg18[%dma_start3A_333, %dma_start3A_334] : memref<10240x128xf32, #tpu.memory_space<vmem_shared>> -> memref<10240x128xf32, #tpu.memory_space<vmem_shared>>
        tpu.enqueue_indirect_dma source(%arg16 : memref<128x128xf32, #tpu.memory_space<vmem>>) target(%dma_start3A_335 : memref<10240x128xf32, #tpu.memory_space<vmem_shared>>) offsets(%dma_start3A_332 : memref<128xi32, #tpu.memory_space<vmem>>) semaphore(%run_scoped3A_329 : memref<!tpu.dma_semaphore, #tpu.memory_space<semaphore_mem>>) {add = true}
        %dma_wait3A_336 = arith.constant 0 : i32
        %dma_wait3A_337 = tpu.memref_slice %arg12[%run_scoped3A_273, %dma_wait3A_336] : memref<8x128xi32, #tpu.memory_space<vmem>> -> memref<1x128xi32, #tpu.memory_space<vmem>>
        %dma_wait3A_338 = tpu.memref_squeeze %dma_wait3A_337 : memref<1x128xi32, #tpu.memory_space<vmem>> -> memref<128xi32, #tpu.memory_space<vmem>>
        %dma_wait3A_339 = arith.constant 0 : i32
        %dma_wait3A_340 = arith.constant 0 : i32
        %dma_wait3A_341 = tpu.memref_slice %arg18[%dma_wait3A_339, %dma_wait3A_340] : memref<10240x128xf32, #tpu.memory_space<vmem_shared>> -> memref<10240x128xf32, #tpu.memory_space<vmem_shared>>
        tpu.wait_indirect_dma semaphore(%run_scoped3A_329 : memref<!tpu.dma_semaphore, #tpu.memory_space<semaphore_mem>>) src(%arg16 : memref<128x128xf32, #tpu.memory_space<vmem>>) dst(%dma_wait3A_341 : memref<10240x128xf32, #tpu.memory_space<vmem_shared>>)
        tpu.yield
      }) : () -> ()
      %dma_start3A_274 = arith.constant 0 : i32
      %dma_start3A_275 = arith.constant 0 : i32
      %dma_start3A_276 = tpu.memref_slice %arg16[%dma_start3A_274, %dma_start3A_275] : memref<128x128xf32, #tpu.memory_space<vmem>> -> memref<64x128xf32, #tpu.memory_space<vmem>>
      %dma_start3A_277 = arith.constant 896 : i32
      %dma_start3A_278 = tpu.memref_slice %arg13[%dma_start3A_277] : memref<1024xi32, #tpu.memory_space<vmem>> -> memref<64xi32, #tpu.memory_space<vmem>>
      %dma_start3A_279 = arith.constant 0 : i32
      %dma_start3A_280 = arith.constant 0 : i32
      %dma_start3A_281 = tpu.memref_slice %arg5[%dma_start3A_279, %dma_start3A_280] : memref<10000x128xf32, #tpu.memory_space<hbm>> -> memref<10000x128xf32, #tpu.memory_space<hbm>>
      tpu.enqueue_indirect_dma source(%dma_start3A_281 : memref<10000x128xf32, #tpu.memory_space<hbm>>) target(%dma_start3A_276 : memref<64x128xf32, #tpu.memory_space<vmem>>) offsets(%dma_start3A_278 : memref<64xi32, #tpu.memory_space<vmem>>) semaphore(%arg21 : memref<!tpu.dma_semaphore, #tpu.memory_space<semaphore_mem>>)
      %dma_start3A_282 = arith.constant 64 : i32
      %dma_start3A_283 = arith.constant 0 : i32
      %dma_start3A_284 = tpu.memref_slice %arg16[%dma_start3A_282, %dma_start3A_283] : memref<128x128xf32, #tpu.memory_space<vmem>> -> memref<64x128xf32, #tpu.memory_space<vmem>>
      %dma_start3A_285 = arith.constant 960 : i32
      %dma_start3A_286 = tpu.memref_slice %arg13[%dma_start3A_285] : memref<1024xi32, #tpu.memory_space<vmem>> -> memref<64xi32, #tpu.memory_space<vmem>>
      %dma_start3A_287 = arith.constant 0 : i32
      %dma_start3A_288 = arith.constant 0 : i32
      %dma_start3A_289 = tpu.memref_slice %arg5[%dma_start3A_287, %dma_start3A_288] : memref<10000x128xf32, #tpu.memory_space<hbm>> -> memref<10000x128xf32, #tpu.memory_space<hbm>>
      tpu.enqueue_indirect_dma source(%dma_start3A_289 : memref<10000x128xf32, #tpu.memory_space<hbm>>) target(%dma_start3A_284 : memref<64x128xf32, #tpu.memory_space<vmem>>) offsets(%dma_start3A_286 : memref<64xi32, #tpu.memory_space<vmem>>) semaphore(%arg22 : memref<!tpu.dma_semaphore, #tpu.memory_space<semaphore_mem>>)
      %dma_wait3A_290 = arith.constant 0 : i32
      %dma_wait3A_291 = arith.constant 0 : i32
      %dma_wait3A_292 = tpu.memref_slice %arg15[%dma_wait3A_290, %dma_wait3A_291] : memref<128x128xf32, #tpu.memory_space<vmem>> -> memref<64x128xf32, #tpu.memory_space<vmem>>
      %dma_wait3A_293 = arith.constant 768 : i32
      %dma_wait3A_294 = tpu.memref_slice %arg13[%dma_wait3A_293] : memref<1024xi32, #tpu.memory_space<vmem>> -> memref<64xi32, #tpu.memory_space<vmem>>
      %dma_wait3A_295 = arith.constant 0 : i32
      %dma_wait3A_296 = arith.constant 0 : i32
      %dma_wait3A_297 = tpu.memref_slice %arg5[%dma_wait3A_295, %dma_wait3A_296] : memref<10000x128xf32, #tpu.memory_space<hbm>> -> memref<10000x128xf32, #tpu.memory_space<hbm>>
      tpu.wait_indirect_dma semaphore(%arg19 : memref<!tpu.dma_semaphore, #tpu.memory_space<semaphore_mem>>) src(%dma_wait3A_297 : memref<10000x128xf32, #tpu.memory_space<hbm>>) dst(%dma_wait3A_292 : memref<64x128xf32, #tpu.memory_space<vmem>>)
      %dma_wait3A_298 = arith.constant 64 : i32
      %dma_wait3A_299 = arith.constant 0 : i32
      %dma_wait3A_300 = tpu.memref_slice %arg15[%dma_wait3A_298, %dma_wait3A_299] : memref<128x128xf32, #tpu.memory_space<vmem>> -> memref<64x128xf32, #tpu.memory_space<vmem>>
      %dma_wait3A_301 = arith.constant 832 : i32
      %dma_wait3A_302 = tpu.memref_slice %arg13[%dma_wait3A_301] : memref<1024xi32, #tpu.memory_space<vmem>> -> memref<64xi32, #tpu.memory_space<vmem>>
      %dma_wait3A_303 = arith.constant 0 : i32
      %dma_wait3A_304 = arith.constant 0 : i32
      %dma_wait3A_305 = tpu.memref_slice %arg5[%dma_wait3A_303, %dma_wait3A_304] : memref<10000x128xf32, #tpu.memory_space<hbm>> -> memref<10000x128xf32, #tpu.memory_space<hbm>>
      tpu.wait_indirect_dma semaphore(%arg20 : memref<!tpu.dma_semaphore, #tpu.memory_space<semaphore_mem>>) src(%dma_wait3A_305 : memref<10000x128xf32, #tpu.memory_space<hbm>>) dst(%dma_wait3A_300 : memref<64x128xf32, #tpu.memory_space<vmem>>)
      %run_scoped3A_306 = arith.constant 6 : i32
      "tpu.region"() ({
        %run_scoped3A_329 = tpu.sem_alloc : memref<!tpu.dma_semaphore, #tpu.memory_space<semaphore_mem>>
        %dma_start3A_330 = arith.constant 0 : i32
        %dma_start3A_331 = tpu.memref_slice %arg12[%run_scoped3A_306, %dma_start3A_330] : memref<8x128xi32, #tpu.memory_space<vmem>> -> memref<1x128xi32, #tpu.memory_space<vmem>>
        %dma_start3A_332 = tpu.memref_squeeze %dma_start3A_331 : memref<1x128xi32, #tpu.memory_space<vmem>> -> memref<128xi32, #tpu.memory_space<vmem>>
        %dma_start3A_333 = arith.constant 0 : i32
        %dma_start3A_334 = arith.constant 0 : i32
        %dma_start3A_335 = tpu.memref_slice %arg18[%dma_start3A_333, %dma_start3A_334] : memref<10240x128xf32, #tpu.memory_space<vmem_shared>> -> memref<10240x128xf32, #tpu.memory_space<vmem_shared>>
        tpu.enqueue_indirect_dma source(%arg15 : memref<128x128xf32, #tpu.memory_space<vmem>>) target(%dma_start3A_335 : memref<10240x128xf32, #tpu.memory_space<vmem_shared>>) offsets(%dma_start3A_332 : memref<128xi32, #tpu.memory_space<vmem>>) semaphore(%run_scoped3A_329 : memref<!tpu.dma_semaphore, #tpu.memory_space<semaphore_mem>>) {add = true}
        %dma_wait3A_336 = arith.constant 0 : i32
        %dma_wait3A_337 = tpu.memref_slice %arg12[%run_scoped3A_306, %dma_wait3A_336] : memref<8x128xi32, #tpu.memory_space<vmem>> -> memref<1x128xi32, #tpu.memory_space<vmem>>
        %dma_wait3A_338 = tpu.memref_squeeze %dma_wait3A_337 : memref<1x128xi32, #tpu.memory_space<vmem>> -> memref<128xi32, #tpu.memory_space<vmem>>
        %dma_wait3A_339 = arith.constant 0 : i32
        %dma_wait3A_340 = arith.constant 0 : i32
        %dma_wait3A_341 = tpu.memref_slice %arg18[%dma_wait3A_339, %dma_wait3A_340] : memref<10240x128xf32, #tpu.memory_space<vmem_shared>> -> memref<10240x128xf32, #tpu.memory_space<vmem_shared>>
        tpu.wait_indirect_dma semaphore(%run_scoped3A_329 : memref<!tpu.dma_semaphore, #tpu.memory_space<semaphore_mem>>) src(%arg15 : memref<128x128xf32, #tpu.memory_space<vmem>>) dst(%dma_wait3A_341 : memref<10240x128xf32, #tpu.memory_space<vmem_shared>>)
        tpu.yield
      }) : () -> ()
      %dma_wait3A_307 = arith.constant 0 : i32
      %dma_wait3A_308 = arith.constant 0 : i32
      %dma_wait3A_309 = tpu.memref_slice %arg16[%dma_wait3A_307, %dma_wait3A_308] : memref<128x128xf32, #tpu.memory_space<vmem>> -> memref<64x128xf32, #tpu.memory_space<vmem>>
      %dma_wait3A_310 = arith.constant 896 : i32
      %dma_wait3A_311 = tpu.memref_slice %arg13[%dma_wait3A_310] : memref<1024xi32, #tpu.memory_space<vmem>> -> memref<64xi32, #tpu.memory_space<vmem>>
      %dma_wait3A_312 = arith.constant 0 : i32
      %dma_wait3A_313 = arith.constant 0 : i32
      %dma_wait3A_314 = tpu.memref_slice %arg5[%dma_wait3A_312, %dma_wait3A_313] : memref<10000x128xf32, #tpu.memory_space<hbm>> -> memref<10000x128xf32, #tpu.memory_space<hbm>>
      tpu.wait_indirect_dma semaphore(%arg21 : memref<!tpu.dma_semaphore, #tpu.memory_space<semaphore_mem>>) src(%dma_wait3A_314 : memref<10000x128xf32, #tpu.memory_space<hbm>>) dst(%dma_wait3A_309 : memref<64x128xf32, #tpu.memory_space<vmem>>)
      %dma_wait3A_315 = arith.constant 64 : i32
      %dma_wait3A_316 = arith.constant 0 : i32
      %dma_wait3A_317 = tpu.memref_slice %arg16[%dma_wait3A_315, %dma_wait3A_316] : memref<128x128xf32, #tpu.memory_space<vmem>> -> memref<64x128xf32, #tpu.memory_space<vmem>>
      %dma_wait3A_318 = arith.constant 960 : i32
      %dma_wait3A_319 = tpu.memref_slice %arg13[%dma_wait3A_318] : memref<1024xi32, #tpu.memory_space<vmem>> -> memref<64xi32, #tpu.memory_space<vmem>>
      %dma_wait3A_320 = arith.constant 0 : i32
      %dma_wait3A_321 = arith.constant 0 : i32
      %dma_wait3A_322 = tpu.memref_slice %arg5[%dma_wait3A_320, %dma_wait3A_321] : memref<10000x128xf32, #tpu.memory_space<hbm>> -> memref<10000x128xf32, #tpu.memory_space<hbm>>
      tpu.wait_indirect_dma semaphore(%arg22 : memref<!tpu.dma_semaphore, #tpu.memory_space<semaphore_mem>>) src(%dma_wait3A_322 : memref<10000x128xf32, #tpu.memory_space<hbm>>) dst(%dma_wait3A_317 : memref<64x128xf32, #tpu.memory_space<vmem>>)
      %run_scoped3A_323 = arith.constant 7 : i32
      "tpu.region"() ({
        %run_scoped3A_329 = tpu.sem_alloc : memref<!tpu.dma_semaphore, #tpu.memory_space<semaphore_mem>>
        %dma_start3A_330 = arith.constant 0 : i32
        %dma_start3A_331 = tpu.memref_slice %arg12[%run_scoped3A_323, %dma_start3A_330] : memref<8x128xi32, #tpu.memory_space<vmem>> -> memref<1x128xi32, #tpu.memory_space<vmem>>
        %dma_start3A_332 = tpu.memref_squeeze %dma_start3A_331 : memref<1x128xi32, #tpu.memory_space<vmem>> -> memref<128xi32, #tpu.memory_space<vmem>>
        %dma_start3A_333 = arith.constant 0 : i32
        %dma_start3A_334 = arith.constant 0 : i32
        %dma_start3A_335 = tpu.memref_slice %arg18[%dma_start3A_333, %dma_start3A_334] : memref<10240x128xf32, #tpu.memory_space<vmem_shared>> -> memref<10240x128xf32, #tpu.memory_space<vmem_shared>>
        tpu.enqueue_indirect_dma source(%arg16 : memref<128x128xf32, #tpu.memory_space<vmem>>) target(%dma_start3A_335 : memref<10240x128xf32, #tpu.memory_space<vmem_shared>>) offsets(%dma_start3A_332 : memref<128xi32, #tpu.memory_space<vmem>>) semaphore(%run_scoped3A_329 : memref<!tpu.dma_semaphore, #tpu.memory_space<semaphore_mem>>) {add = true}
        %dma_wait3A_336 = arith.constant 0 : i32
        %dma_wait3A_337 = tpu.memref_slice %arg12[%run_scoped3A_323, %dma_wait3A_336] : memref<8x128xi32, #tpu.memory_space<vmem>> -> memref<1x128xi32, #tpu.memory_space<vmem>>
        %dma_wait3A_338 = tpu.memref_squeeze %dma_wait3A_337 : memref<1x128xi32, #tpu.memory_space<vmem>> -> memref<128xi32, #tpu.memory_space<vmem>>
        %dma_wait3A_339 = arith.constant 0 : i32
        %dma_wait3A_340 = arith.constant 0 : i32
        %dma_wait3A_341 = tpu.memref_slice %arg18[%dma_wait3A_339, %dma_wait3A_340] : memref<10240x128xf32, #tpu.memory_space<vmem_shared>> -> memref<10240x128xf32, #tpu.memory_space<vmem_shared>>
        tpu.wait_indirect_dma semaphore(%run_scoped3A_329 : memref<!tpu.dma_semaphore, #tpu.memory_space<semaphore_mem>>) src(%arg16 : memref<128x128xf32, #tpu.memory_space<vmem>>) dst(%dma_wait3A_341 : memref<10240x128xf32, #tpu.memory_space<vmem_shared>>)
        tpu.yield
      }) : () -> ()
      %scan3A_324 = arith.constant 0 : i32
      %scan3A_325 = arith.constant 64 : i32
      %scan3A_326 = arith.addi %scan3A_324, %scan3A_325 : i32
      %scan3A_327 = arith.constant 1 : i32
      scf.for %scan3A_329 = %scan3A_324 to %scan3A_326 step %scan3A_327  : i32 {
        %mul3A_330 = arith.constant 1 : i32
        %mul3A_331 = arith.muli %scan3A_329, %mul3A_330 : i32
        %add3A_332 = arith.constant 0 : i32
        %add3A_333 = arith.addi %add3A_332, %mul3A_331 : i32
        %mul3A_334 = arith.constant 16 : i32
        %mul3A_335 = arith.muli %add3A_333, %mul3A_334 : i32
        %get3A = arith.index_cast %mul3A_335 : i32 to index
        %get3A_336 = tpu.vector_load %arg14[%get3A] {strides = array<i32>} : memref<1024xi32, #tpu.memory_space<vmem>>, vector<16xi32>,
        tpu.vector_store_idx %arg17[%get3A_336], %broadcast_in_dim3A_12 {add = true} : memref<10240xf32, #tpu.memory_space<vmem>>[vector<16xi32>], vector<16xf32>,
      }
      %scan3A_328 = arith.constant 64 : i32
    }
    %barrier3A_37 = arith.constant 0 : index
    tpu.barrier barrier_id(%barrier3A_37)
    %mul3A_38 = arith.constant 8 : i32
    %mul3A_39 = arith.muli %arg1, %mul3A_38 : i32
    "tpu.region"() ({
      %run_scoped3A = tpu.sem_alloc : memref<!tpu.dma_semaphore, #tpu.memory_space<semaphore_mem>>
      %dma_start3A = arith.constant 0 : i32
      %dma_start3A_47 = tpu.memref_slice %arg6[%mul3A_39, %dma_start3A] : memref<128x128xi32, #tpu.memory_space<hbm>> -> memref<8x128xi32, #tpu.memory_space<hbm>>
      %dma_start3A_48 = arith.constant 0 : i32
      %dma_start3A_49 = tpu.memref_slice %arg6[%mul3A_39, %dma_start3A_48] : memref<128x128xi32, #tpu.memory_space<hbm>> -> memref<8x128xi32, #tpu.memory_space<hbm>>
      tpu.enqueue_dma source(%dma_start3A_49 : memref<8x128xi32, #tpu.memory_space<hbm>>) target(%arg11 : memref<8x128xi32, #tpu.memory_space<vmem>>) target_semaphore(%run_scoped3A : memref<!tpu.dma_semaphore, #tpu.memory_space<semaphore_mem>>)
      %dma_wait3A = arith.constant 0 : i32
      %dma_wait3A_50 = tpu.memref_slice %arg6[%mul3A_39, %dma_wait3A] : memref<128x128xi32, #tpu.memory_space<hbm>> -> memref<8x128xi32, #tpu.memory_space<hbm>>
      %dma_wait3A_51 = arith.constant 0 : i32
      %dma_wait3A_52 = tpu.memref_slice %arg6[%mul3A_39, %dma_wait3A_51] : memref<128x128xi32, #tpu.memory_space<hbm>> -> memref<8x128xi32, #tpu.memory_space<hbm>>
      tpu.wait_dma2 semaphore(%run_scoped3A : memref<!tpu.dma_semaphore, #tpu.memory_space<semaphore_mem>>) src(%dma_wait3A_52 : memref<8x128xi32, #tpu.memory_space<hbm>>) dst(%arg11 : memref<8x128xi32, #tpu.memory_space<vmem>>)
      tpu.yield
    }) : () -> ()
    %scan3A_40 = arith.constant 0 : i32
    %scan3A_41 = arith.constant 5 : i32
    %scan3A_42 = arith.addi %scan3A_40, %scan3A_41 : i32
    %scan3A_43 = arith.constant 1 : i32
    scf.for %scan3A_47 = %scan3A_40 to %scan3A_42 step %scan3A_43  : i32 {
      %mul3A_48 = arith.constant 1 : i32
      %mul3A_49 = arith.muli %scan3A_47, %mul3A_48 : i32
      %add3A_50 = arith.constant 0 : i32
      %add3A_51 = arith.addi %add3A_50, %mul3A_49 : i32
      "tpu.region"() ({
        %run_scoped3A = tpu.sem_alloc : memref<!tpu.dma_semaphore, #tpu.memory_space<semaphore_mem>>
        %dma_start3A = arith.constant 0 : i32
        %dma_start3A_55 = tpu.memref_slice %arg11[%add3A_51, %dma_start3A] : memref<8x128xi32, #tpu.memory_space<vmem>> -> memref<1x128xi32, #tpu.memory_space<vmem>>
        %dma_start3A_56 = tpu.memref_squeeze %dma_start3A_55 : memref<1x128xi32, #tpu.memory_space<vmem>> -> memref<128xi32, #tpu.memory_space<vmem>>
        %dma_start3A_57 = arith.constant 0 : i32
        %dma_start3A_58 = arith.constant 0 : i32
        %dma_start3A_59 = tpu.memref_slice %arg18[%dma_start3A_57, %dma_start3A_58] : memref<10240x128xf32, #tpu.memory_space<vmem_shared>> -> memref<10240x128xf32, #tpu.memory_space<vmem_shared>>
        tpu.enqueue_indirect_dma source(%dma_start3A_59 : memref<10240x128xf32, #tpu.memory_space<vmem_shared>>) target(%arg15 : memref<128x128xf32, #tpu.memory_space<vmem>>) offsets(%dma_start3A_56 : memref<128xi32, #tpu.memory_space<vmem>>) semaphore(%run_scoped3A : memref<!tpu.dma_semaphore, #tpu.memory_space<semaphore_mem>>)
        %dma_wait3A = arith.constant 0 : i32
        %dma_wait3A_60 = tpu.memref_slice %arg11[%add3A_51, %dma_wait3A] : memref<8x128xi32, #tpu.memory_space<vmem>> -> memref<1x128xi32, #tpu.memory_space<vmem>>
        %dma_wait3A_61 = tpu.memref_squeeze %dma_wait3A_60 : memref<1x128xi32, #tpu.memory_space<vmem>> -> memref<128xi32, #tpu.memory_space<vmem>>
        %dma_wait3A_62 = arith.constant 0 : i32
        %dma_wait3A_63 = arith.constant 0 : i32
        %dma_wait3A_64 = tpu.memref_slice %arg18[%dma_wait3A_62, %dma_wait3A_63] : memref<10240x128xf32, #tpu.memory_space<vmem_shared>> -> memref<10240x128xf32, #tpu.memory_space<vmem_shared>>
        tpu.wait_indirect_dma semaphore(%run_scoped3A : memref<!tpu.dma_semaphore, #tpu.memory_space<semaphore_mem>>) src(%dma_wait3A_64 : memref<10240x128xf32, #tpu.memory_space<vmem_shared>>) dst(%arg15 : memref<128x128xf32, #tpu.memory_space<vmem>>)
        tpu.yield
      }) : () -> ()
      %mul3A_52 = arith.constant 128 : i32
      %mul3A_53 = arith.muli %add3A_51, %mul3A_52 : i32
      %add3A_54 = arith.addi %add3A_5, %mul3A_53 : i32
      "tpu.region"() ({
        %run_scoped3A = tpu.sem_alloc : memref<!tpu.dma_semaphore, #tpu.memory_space<semaphore_mem>>
        %dma_start3A = arith.constant 0 : i32
        %dma_start3A_55 = tpu.memref_slice %arg9[%add3A_54, %dma_start3A] : memref<20480x128xf32, #tpu.memory_space<hbm>> -> memref<128x128xf32, #tpu.memory_space<hbm>>
        %dma_start3A_56 = arith.constant 0 : i32
        %dma_start3A_57 = tpu.memref_slice %arg9[%add3A_54, %dma_start3A_56] : memref<20480x128xf32, #tpu.memory_space<hbm>> -> memref<128x128xf32, #tpu.memory_space<hbm>>
        tpu.enqueue_dma source(%arg15 : memref<128x128xf32, #tpu.memory_space<vmem>>) target(%dma_start3A_57 : memref<128x128xf32, #tpu.memory_space<hbm>>) target_semaphore(%run_scoped3A : memref<!tpu.dma_semaphore, #tpu.memory_space<semaphore_mem>>)
        %dma_wait3A = arith.constant 0 : i32
        %dma_wait3A_58 = tpu.memref_slice %arg9[%add3A_54, %dma_wait3A] : memref<20480x128xf32, #tpu.memory_space<hbm>> -> memref<128x128xf32, #tpu.memory_space<hbm>>
        %dma_wait3A_59 = arith.constant 0 : i32
        %dma_wait3A_60 = tpu.memref_slice %arg9[%add3A_54, %dma_wait3A_59] : memref<20480x128xf32, #tpu.memory_space<hbm>> -> memref<128x128xf32, #tpu.memory_space<hbm>>
        tpu.wait_dma2 semaphore(%run_scoped3A : memref<!tpu.dma_semaphore, #tpu.memory_space<semaphore_mem>>) src(%arg15 : memref<128x128xf32, #tpu.memory_space<vmem>>) dst(%dma_wait3A_60 : memref<128x128xf32, #tpu.memory_space<hbm>>)
        tpu.yield
      }) : () -> ()
    }
    %scan3A_44 = arith.constant 5 : i32
    %mul3A_45 = arith.constant 10240 : i32
    %mul3A_46 = arith.muli %add3A, %mul3A_45 : i32
    "tpu.region"() ({
      %run_scoped3A = tpu.sem_alloc : memref<!tpu.dma_semaphore, #tpu.memory_space<semaphore_mem>>
      %dma_start3A = tpu.memref_slice %arg10[%mul3A_46] : memref<327680xf32, #tpu.memory_space<hbm>> -> memref<10240xf32, #tpu.memory_space<hbm>>
      %dma_start3A_47 = tpu.memref_slice %arg10[%mul3A_46] : memref<327680xf32, #tpu.memory_space<hbm>> -> memref<10240xf32, #tpu.memory_space<hbm>>
      tpu.enqueue_dma source(%arg17 : memref<10240xf32, #tpu.memory_space<vmem>>) target(%dma_start3A_47 : memref<10240xf32, #tpu.memory_space<hbm>>) target_semaphore(%run_scoped3A : memref<!tpu.dma_semaphore, #tpu.memory_space<semaphore_mem>>)
      %dma_wait3A = tpu.memref_slice %arg10[%mul3A_46] : memref<327680xf32, #tpu.memory_space<hbm>> -> memref<10240xf32, #tpu.memory_space<hbm>>
      %dma_wait3A_48 = tpu.memref_slice %arg10[%mul3A_46] : memref<327680xf32, #tpu.memory_space<hbm>> -> memref<10240xf32, #tpu.memory_space<hbm>>
      tpu.wait_dma2 semaphore(%run_scoped3A : memref<!tpu.dma_semaphore, #tpu.memory_space<semaphore_mem>>) src(%arg17 : memref<10240xf32, #tpu.memory_space<vmem>>) dst(%dma_wait3A_48 : memref<10240xf32, #tpu.memory_space<hbm>>)
      tpu.yield
    }) : () -> ()
    return
  }
}

module attributes {stable_mosaic.version = 14 : i64} {
  func.func @_tc_body(%arg0: i32, %arg1: memref<640x128xf32, #tpu.memory_space<vmem>>, %arg2: memref<640x128xf32, #tpu.memory_space<vmem>>, %arg3: memref<640x128xf32, #tpu.memory_space<vmem>>, %arg4: memref<32x640xf32, #tpu.memory_space<vmem>>, %arg5: memref<1x1x640xi32, #tpu.memory_space<vmem>>, %arg6: memref<128x128xf32, #tpu.memory_space<vmem>>, %arg7: memref<128x128xf32, #tpu.memory_space<vmem>>, %arg8: memref<128x128xf32, #tpu.memory_space<vmem>>, %arg9: memref<1x128xf32, #tpu.memory_space<vmem>>, %arg10: memref<1x128xf32, #tpu.memory_space<vmem>>, %arg11: memref<128x128xf32, #tpu.memory_space<vmem>>, %arg12: memref<1x128xf32, #tpu.memory_space<vmem>>, %arg13: memref<2x128xf32, #tpu.memory_space<vmem>>, %arg14: memref<1x2xf32, #tpu.memory_space<vmem>>, %arg15: memref<64x2xf32, #tpu.memory_space<vmem>>, %arg16: memref<64x128xf32, #tpu.memory_space<vmem>>, %arg17: memref<64x128xf32, #tpu.memory_space<vmem>>) attributes {dimension_semantics = [#tpu.dimension_semantics<arbitrary>], iteration_bounds = array<i64: 16>, scalar_prefetch = 0 : i64, scratch_operands = 2 : i64, tpu.core_type = #tpu.core_type<tc>, window_params = [{transform_indices = @transform_0, window_bounds = array<i64: 640, 128>}, {transform_indices = @transform_1, window_bounds = array<i64: 640, 128>}, {transform_indices = @transform_2, window_bounds = array<i64: 640, 128>}, {transform_indices = @transform_3, window_bounds = array<i64: 32, 640>}, {transform_indices = @transform_4, window_bounds = array<i64: 1, 1, 640>}, {pipeline_mode = #tpu.pipeline_mode<synchronous>, transform_indices = @transform_5, window_bounds = array<i64: 128, 128>}, {pipeline_mode = #tpu.pipeline_mode<synchronous>, transform_indices = @transform_6, window_bounds = array<i64: 128, 128>}, {pipeline_mode = #tpu.pipeline_mode<synchronous>, transform_indices = @transform_7, window_bounds = array<i64: 128, 128>}, {pipeline_mode = #tpu.pipeline_mode<synchronous>, transform_indices = @transform_8, window_bounds = array<i64: 1, 128>}, {pipeline_mode = #tpu.pipeline_mode<synchronous>, transform_indices = @transform_9, window_bounds = array<i64: 1, 128>}, {pipeline_mode = #tpu.pipeline_mode<synchronous>, transform_indices = @transform_10, window_bounds = array<i64: 128, 128>}, {pipeline_mode = #tpu.pipeline_mode<synchronous>, transform_indices = @transform_11, window_bounds = array<i64: 1, 128>}, {pipeline_mode = #tpu.pipeline_mode<synchronous>, transform_indices = @transform_12, window_bounds = array<i64: 2, 128>}, {pipeline_mode = #tpu.pipeline_mode<synchronous>, transform_indices = @transform_13, window_bounds = array<i64: 1, 2>}, {pipeline_mode = #tpu.pipeline_mode<synchronous>, transform_indices = @transform_14, window_bounds = array<i64: 64, 2>}]} {
    %eq3A = arith.constant 0 : i32
    %eq3A_0 = arith.cmpi eq, %arg0, %eq3A : i32
    %convert_element_type3A = arith.extui %eq3A_0 : i1 to i32
    %cond3A = arith.constant 0 : i32
    %cond3A_1 = arith.cmpi ne, %convert_element_type3A, %cond3A : i32
    scf.if %cond3A_1 {
      %broadcast_in_dim3A_74 = arith.constant 0.000000e+00 : f32
      %broadcast_in_dim3A_75 = vector.broadcast %broadcast_in_dim3A_74 : f32 to vector<64x128xf32>
      %swap3A_76 = arith.constant 0 : index
      %swap3A_77 = arith.constant 0 : index
      %swap3A_78 = vector.load %arg16[%swap3A_76, %swap3A_77] : memref<64x128xf32, #tpu.memory_space<vmem>>, vector<64x128xf32>
      tpu.vector_store %arg16[%swap3A_76, %swap3A_77], %broadcast_in_dim3A_75 {strides = array<i32>} : memref<64x128xf32, #tpu.memory_space<vmem>>, vector<64x128xf32>,
      %broadcast_in_dim3A_79 = arith.constant 0.000000e+00 : f32
      %broadcast_in_dim3A_80 = vector.broadcast %broadcast_in_dim3A_79 : f32 to vector<64x128xf32>
      %swap3A_81 = arith.constant 0 : index
      %swap3A_82 = arith.constant 0 : index
      %swap3A_83 = vector.load %arg17[%swap3A_81, %swap3A_82] : memref<64x128xf32, #tpu.memory_space<vmem>>, vector<64x128xf32>
      tpu.vector_store %arg17[%swap3A_81, %swap3A_82], %broadcast_in_dim3A_80 {strides = array<i32>} : memref<64x128xf32, #tpu.memory_space<vmem>>, vector<64x128xf32>,
    } else {
    }
    %get3A = arith.constant 0 : index
    %get3A_2 = arith.constant 0 : index
    %get3A_3 = vector.load %arg2[%get3A, %get3A_2] : memref<640x128xf32, #tpu.memory_space<vmem>>, vector<640x128xf32>
    %get3A_4 = arith.constant 0 : index
    %get3A_5 = arith.constant 0 : index
    %get3A_6 = vector.load %arg3[%get3A_4, %get3A_5] : memref<640x128xf32, #tpu.memory_space<vmem>>, vector<640x128xf32>
    %add3A = arith.addf %get3A_3, %get3A_6 : vector<640x128xf32>
    %get3A_7 = arith.constant 0 : index
    %get3A_8 = arith.constant 0 : index
    %get3A_9 = vector.load %arg4[%get3A_7, %get3A_8] : memref<32x640xf32, #tpu.memory_space<vmem>>, vector<32x640xf32>
    %reduce_sum3A = arith.constant dense<0.000000e+00> : vector<640xf32>
    %reduce_sum3A_10 = vector.multi_reduction <add>, %get3A_9, %reduce_sum3A [0] : vector<32x640xf32> to vector<640xf32>
    %broadcast_in_dim3A = vector.shape_cast %reduce_sum3A_10 : vector<640xf32> to vector<640x1xf32>
    %max3A = arith.constant 1.000000e+00 : f32
    %max3A_11 = vector.broadcast %max3A : f32 to vector<640x1xf32>
    %max3A_12 = arith.maximumf %broadcast_in_dim3A, %max3A_11 : vector<640x1xf32>
    %div3A = vector.broadcast %max3A_12 : vector<640x1xf32> to vector<640x128xf32>
    %div3A_13 = arith.divf %add3A, %div3A : vector<640x128xf32>
    %get3A_14 = arith.constant 0 : index
    %get3A_15 = arith.constant 0 : index
    %get3A_16 = vector.load %arg6[%get3A_14, %get3A_15] : memref<128x128xf32, #tpu.memory_space<vmem>>, vector<128x128xf32>
    %dot_general3A = arith.constant dense<0.000000e+00> : vector<640x128xf32>
    %dot_general3A_17 = tpu.matmul %div3A_13, %get3A_16, %dot_general3A {dimension_numbers = #tpu.dot_dimension_numbers<[1], [1], [0], [0], [0, 0, 1, 0], [], []>, precision = #tpu.contract_precision<fp32>, transpose_lhs_hint = false} : vector<640x128xf32>, vector<128x128xf32>, vector<640x128xf32> -> vector<640x128xf32>
    %get3A_18 = arith.constant 0 : index
    %get3A_19 = arith.constant 0 : index
    %get3A_20 = vector.load %arg1[%get3A_18, %get3A_19] : memref<640x128xf32, #tpu.memory_space<vmem>>, vector<640x128xf32>
    %get3A_21 = arith.constant 0 : index
    %get3A_22 = arith.constant 0 : index
    %get3A_23 = vector.load %arg7[%get3A_21, %get3A_22] : memref<128x128xf32, #tpu.memory_space<vmem>>, vector<128x128xf32>
    %get3A_24 = arith.constant 0 : index
    %get3A_25 = arith.constant 0 : index
    %get3A_26 = vector.load %arg8[%get3A_24, %get3A_25] : memref<128x128xf32, #tpu.memory_space<vmem>>, vector<128x128xf32>
    %add3A_27 = arith.addf %get3A_23, %get3A_26 : vector<128x128xf32>
    %dot_general3A_28 = arith.constant dense<0.000000e+00> : vector<640x128xf32>
    %dot_general3A_29 = tpu.matmul %get3A_20, %add3A_27, %dot_general3A_28 {dimension_numbers = #tpu.dot_dimension_numbers<[1], [1], [0], [0], [0, 0, 1, 0], [], []>, precision = #tpu.contract_precision<fp32>, transpose_lhs_hint = false} : vector<640x128xf32>, vector<128x128xf32>, vector<640x128xf32> -> vector<640x128xf32>
    %add3A_30 = arith.addf %dot_general3A_17, %dot_general3A_29 : vector<640x128xf32>
    %get3A_31 = arith.constant 0 : index
    %get3A_32 = arith.constant 0 : index
    %get3A_33 = vector.load %arg9[%get3A_31, %get3A_32] : memref<1x128xf32, #tpu.memory_space<vmem>>, vector<1x128xf32>
    %get3A_34 = arith.constant 0 : index
    %get3A_35 = arith.constant 0 : index
    %get3A_36 = vector.load %arg10[%get3A_34, %get3A_35] : memref<1x128xf32, #tpu.memory_space<vmem>>, vector<1x128xf32>
    %add3A_37 = arith.addf %get3A_33, %get3A_36 : vector<1x128xf32>
    %add3A_38 = vector.broadcast %add3A_37 : vector<1x128xf32> to vector<640x128xf32>
    %add3A_39 = arith.addf %add3A_30, %add3A_38 : vector<640x128xf32>
    %get3A_40 = arith.constant 0 : index
    %get3A_41 = arith.constant 0 : index
    %get3A_42 = arith.constant 0 : index
    %get3A_43 = vector.load %arg5[%get3A_40, %get3A_41, %get3A_42] : memref<1x1x640xi32, #tpu.memory_space<vmem>>, vector<1x1x640xi32>
    %get3A_44 = vector.shape_cast %get3A_43 : vector<1x1x640xi32> to vector<1x640xi32>
    %iota3A = tpu.iota {dimensions = array<i32: 0>} : vector<64x640xi32>
    %eq3A_45 = vector.broadcast %get3A_44 : vector<1x640xi32> to vector<64x640xi32>
    %eq3A_46 = arith.cmpi eq, %iota3A, %eq3A_45 : vector<64x640xi32>
    %convert_element_type3A_47 = arith.extui %eq3A_46 : vector<64x640xi1> to vector<64x640xi32>
    %convert_element_type3A_48 = arith.sitofp %convert_element_type3A_47 : vector<64x640xi32> to vector<64x640xf32>
    %get3A_49 = arith.constant 0 : index
    %get3A_50 = arith.constant 0 : index
    %get3A_51 = vector.load %arg16[%get3A_49, %get3A_50] : memref<64x128xf32, #tpu.memory_space<vmem>>, vector<64x128xf32>
    %dot_general3A_52 = arith.constant dense<0.000000e+00> : vector<64x128xf32>
    %dot_general3A_53 = tpu.matmul %convert_element_type3A_48, %add3A_39, %dot_general3A_52 {dimension_numbers = #tpu.dot_dimension_numbers<[1], [0], [0], [1], [0, 0, 1, 1], [], []>, precision = #tpu.contract_precision<fp32>, transpose_lhs_hint = false} : vector<64x640xf32>, vector<640x128xf32>, vector<64x128xf32> -> vector<64x128xf32>
    %add3A_54 = arith.addf %get3A_51, %dot_general3A_53 : vector<64x128xf32>
    %swap3A = arith.constant 0 : index
    %swap3A_55 = arith.constant 0 : index
    %swap3A_56 = vector.load %arg16[%swap3A, %swap3A_55] : memref<64x128xf32, #tpu.memory_space<vmem>>, vector<64x128xf32>
    tpu.vector_store %arg16[%swap3A, %swap3A_55], %add3A_54 {strides = array<i32>} : memref<64x128xf32, #tpu.memory_space<vmem>>, vector<64x128xf32>,
    %get3A_57 = arith.constant 0 : index
    %get3A_58 = arith.constant 0 : index
    %get3A_59 = vector.load %arg17[%get3A_57, %get3A_58] : memref<64x128xf32, #tpu.memory_space<vmem>>, vector<64x128xf32>
    %reduce_sum3A_60 = arith.constant dense<0.000000e+00> : vector<64xf32>
    %reduce_sum3A_61 = vector.multi_reduction <add>, %convert_element_type3A_48, %reduce_sum3A_60 [1] : vector<64x640xf32> to vector<64xf32>
    %broadcast_in_dim3A_62 = vector.shape_cast %reduce_sum3A_61 : vector<64xf32> to vector<64x1xf32>
    %broadcast_in_dim3A_63 = vector.shape_cast %broadcast_in_dim3A_62 : vector<64x1xf32> to vector<64x1xf32>
    %broadcast_in_dim3A_64 = vector.broadcast %broadcast_in_dim3A_63 : vector<64x1xf32> to vector<64x128xf32>
    %add3A_65 = arith.addf %get3A_59, %broadcast_in_dim3A_64 : vector<64x128xf32>
    %swap3A_66 = arith.constant 0 : index
    %swap3A_67 = arith.constant 0 : index
    %swap3A_68 = vector.load %arg17[%swap3A_66, %swap3A_67] : memref<64x128xf32, #tpu.memory_space<vmem>>, vector<64x128xf32>
    tpu.vector_store %arg17[%swap3A_66, %swap3A_67], %add3A_65 {strides = array<i32>} : memref<64x128xf32, #tpu.memory_space<vmem>>, vector<64x128xf32>,
    %eq3A_69 = arith.constant 15 : i32
    %eq3A_70 = arith.cmpi eq, %arg0, %eq3A_69 : i32
    %convert_element_type3A_71 = arith.extui %eq3A_70 : i1 to i32
    %cond3A_72 = arith.constant 0 : i32
    %cond3A_73 = arith.cmpi ne, %convert_element_type3A_71, %cond3A_72 : i32
    scf.if %cond3A_73 {
      %get3A_74 = arith.constant 0 : index
      %get3A_75 = arith.constant 0 : index
      %get3A_76 = vector.load %arg16[%get3A_74, %get3A_75] : memref<64x128xf32, #tpu.memory_space<vmem>>, vector<64x128xf32>
      %get3A_77 = arith.constant 0 : index
      %get3A_78 = arith.constant 0 : index
      %get3A_79 = vector.load %arg17[%get3A_77, %get3A_78] : memref<64x128xf32, #tpu.memory_space<vmem>>, vector<64x128xf32>
      %max3A_80 = arith.constant 1.000000e+00 : f32
      %max3A_81 = vector.broadcast %max3A_80 : f32 to vector<64x128xf32>
      %max3A_82 = arith.maximumf %get3A_79, %max3A_81 : vector<64x128xf32>
      %div3A_83 = arith.divf %get3A_76, %max3A_82 : vector<64x128xf32>
      %get3A_84 = arith.constant 0 : index
      %get3A_85 = arith.constant 0 : index
      %get3A_86 = vector.load %arg11[%get3A_84, %get3A_85] : memref<128x128xf32, #tpu.memory_space<vmem>>, vector<128x128xf32>
      %dot_general3A_87 = arith.constant dense<0.000000e+00> : vector<64x128xf32>
      %dot_general3A_88 = tpu.matmul %div3A_83, %get3A_86, %dot_general3A_87 {dimension_numbers = #tpu.dot_dimension_numbers<[1], [1], [0], [0], [0, 0, 1, 0], [], []>, precision = #tpu.contract_precision<fp32>, transpose_lhs_hint = false} : vector<64x128xf32>, vector<128x128xf32>, vector<64x128xf32> -> vector<64x128xf32>
      %get3A_89 = arith.constant 0 : index
      %get3A_90 = arith.constant 0 : index
      %get3A_91 = vector.load %arg12[%get3A_89, %get3A_90] : memref<1x128xf32, #tpu.memory_space<vmem>>, vector<1x128xf32>
      %add3A_92 = vector.broadcast %get3A_91 : vector<1x128xf32> to vector<64x128xf32>
      %add3A_93 = arith.addf %dot_general3A_88, %add3A_92 : vector<64x128xf32>
      %max3A_94 = arith.constant 0.000000e+00 : f32
      %max3A_95 = vector.broadcast %max3A_94 : f32 to vector<64x128xf32>
      %max3A_96 = arith.maximumf %add3A_93, %max3A_95 : vector<64x128xf32>
      %get3A_97 = arith.constant 0 : index
      %get3A_98 = arith.constant 0 : index
      %get3A_99 = vector.load %arg13[%get3A_97, %get3A_98] : memref<2x128xf32, #tpu.memory_space<vmem>>, vector<2x128xf32>
      %dot_general3A_100 = arith.constant dense<0.000000e+00> : vector<64x2xf32>
      %dot_general3A_101 = tpu.matmul %max3A_96, %get3A_99, %dot_general3A_100 {dimension_numbers = #tpu.dot_dimension_numbers<[1], [1], [0], [0], [0, 0, 1, 0], [], []>, precision = #tpu.contract_precision<fp32>, transpose_lhs_hint = false} : vector<64x128xf32>, vector<2x128xf32>, vector<64x2xf32> -> vector<64x2xf32>
      %get3A_102 = arith.constant 0 : index
      %get3A_103 = arith.constant 0 : index
      %get3A_104 = vector.load %arg14[%get3A_102, %get3A_103] : memref<1x2xf32, #tpu.memory_space<vmem>>, vector<1x2xf32>
      %add3A_105 = vector.broadcast %get3A_104 : vector<1x2xf32> to vector<64x2xf32>
      %add3A_106 = arith.addf %dot_general3A_101, %add3A_105 : vector<64x2xf32>
      %swap3A_107 = arith.constant 0 : index
      %swap3A_108 = arith.constant 0 : index
      %swap3A_109 = vector.load %arg15[%swap3A_107, %swap3A_108] : memref<64x2xf32, #tpu.memory_space<vmem>>, vector<64x2xf32>
      tpu.vector_store %arg15[%swap3A_107, %swap3A_108], %add3A_106 {strides = array<i32>} : memref<64x2xf32, #tpu.memory_space<vmem>>, vector<64x2xf32>,
    } else {
    }
    return
  }
  func.func @transform_0(%arg0: i32) -> (i32, i32) {
    %c0_i32 = arith.constant 0 : i32
    %c0_i32_0 = arith.constant 0 : i32
    return %arg0, %c0_i32 : i32, i32
  }
  func.func @transform_1(%arg0: i32) -> (i32, i32) {
    %c0_i32 = arith.constant 0 : i32
    %c0_i32_0 = arith.constant 0 : i32
    return %arg0, %c0_i32 : i32, i32
  }
  func.func @transform_2(%arg0: i32) -> (i32, i32) {
    %add3A = arith.constant 16 : i32
    %add3A_0 = arith.addi %add3A, %arg0 : i32
    %c0_i32 = arith.constant 0 : i32
    %c0_i32_1 = arith.constant 0 : i32
    return %add3A_0, %c0_i32 : i32, i32
  }
  func.func @transform_3(%arg0: i32) -> (i32, i32) {
    %c0_i32 = arith.constant 0 : i32
    %c0_i32_0 = arith.constant 0 : i32
    return %c0_i32, %arg0 : i32, i32
  }
  func.func @transform_4(%arg0: i32) -> (i32, i32, i32) {
    %c0_i32 = arith.constant 0 : i32
    %c0_i32_0 = arith.constant 0 : i32
    %c0_i32_1 = arith.constant 0 : i32
    return %arg0, %c0_i32, %c0_i32_0 : i32, i32, i32
  }
  func.func @transform_5(%arg0: i32) -> (i32, i32) {
    %c0_i32 = arith.constant 0 : i32
    %c0_i32_0 = arith.constant 0 : i32
    %c0_i32_1 = arith.constant 0 : i32
    return %c0_i32, %c0_i32_0 : i32, i32
  }
  func.func @transform_6(%arg0: i32) -> (i32, i32) {
    %c0_i32 = arith.constant 0 : i32
    %c0_i32_0 = arith.constant 0 : i32
    %c0_i32_1 = arith.constant 0 : i32
    return %c0_i32, %c0_i32_0 : i32, i32
  }
  func.func @transform_7(%arg0: i32) -> (i32, i32) {
    %c0_i32 = arith.constant 0 : i32
    %c0_i32_0 = arith.constant 0 : i32
    %c0_i32_1 = arith.constant 0 : i32
    return %c0_i32, %c0_i32_0 : i32, i32
  }
  func.func @transform_8(%arg0: i32) -> (i32, i32) {
    %c0_i32 = arith.constant 0 : i32
    %c0_i32_0 = arith.constant 0 : i32
    %c0_i32_1 = arith.constant 0 : i32
    return %c0_i32, %c0_i32_0 : i32, i32
  }
  func.func @transform_9(%arg0: i32) -> (i32, i32) {
    %c0_i32 = arith.constant 0 : i32
    %c0_i32_0 = arith.constant 0 : i32
    %c0_i32_1 = arith.constant 0 : i32
    return %c0_i32, %c0_i32_0 : i32, i32
  }
  func.func @transform_10(%arg0: i32) -> (i32, i32) {
    %c0_i32 = arith.constant 0 : i32
    %c0_i32_0 = arith.constant 0 : i32
    %c0_i32_1 = arith.constant 0 : i32
    return %c0_i32, %c0_i32_0 : i32, i32
  }
  func.func @transform_11(%arg0: i32) -> (i32, i32) {
    %c0_i32 = arith.constant 0 : i32
    %c0_i32_0 = arith.constant 0 : i32
    %c0_i32_1 = arith.constant 0 : i32
    return %c0_i32, %c0_i32_0 : i32, i32
  }
  func.func @transform_12(%arg0: i32) -> (i32, i32) {
    %c0_i32 = arith.constant 0 : i32
    %c0_i32_0 = arith.constant 0 : i32
    %c0_i32_1 = arith.constant 0 : i32
    return %c0_i32, %c0_i32_0 : i32, i32
  }
  func.func @transform_13(%arg0: i32) -> (i32, i32) {
    %c0_i32 = arith.constant 0 : i32
    %c0_i32_0 = arith.constant 0 : i32
    %c0_i32_1 = arith.constant 0 : i32
    return %c0_i32, %c0_i32_0 : i32, i32
  }
  func.func @transform_14(%arg0: i32) -> (i32, i32) {
    %c0_i32 = arith.constant 0 : i32
    %c0_i32_0 = arith.constant 0 : i32
    %c0_i32_1 = arith.constant 0 : i32
    return %c0_i32, %c0_i32_0 : i32, i32
  }
}

</mosaic_0001>

<sc_bundles>
// kernel: kernel.4.cloned.1.call-start
scs
__scs_entry_jumppad:
0x0: {  	(pc) =	sbr.rel $0x88, $3  }
0x1: {  	(tag) =	ssettag $0x0;
	lr =	simm.s32 $0x1  }
0x2: {  	[smem:$0x3F95] =	sst lr;
	_ =	strace $0xD0000000  }
0x3: {  	_ = 	snop  }
0x4: {  	_ = 	snop  }
0x5: {  	_ = 	snop  }
0x6: {  	_ = 	snop  }
0x7: {  	_ = 	snop  }
__scs_overlays_trampoline_lowered:
0x8: {  	[smem:$0x3FA4] =	sst s0  }
0x9: {  	[smem:$0x3FA5] =	sst s1  }
0xa: {  	[smem:$0x3FA6] =	sst s2  }
0xb: {  	[smem:$0x3FA7] =	sst s3  }
0xc: {  	[smem:$0x3FA8] =	sst s4  }
0xd: {  	[smem:$0x3FA9] =	sst s5  }
0xe: {  	[smem:$0x3FAA] =	sst s6  }
0xf: {  	[smem:$0x3FAB] =	sst s7  }
0x10: {  	[smem:$0x3FAC] =	sst s8  }
0x11: {  	[smem:$0x3FAD] =	sst s9;
	s0 =	simm.s32 @!p0 $0x0  }
0x12: {  	s1 =	sld [smem:$0x3F93];
	s0 =	simm.s32 @p0 $0x1  }
0x13: {  	[smem:$0x3FAE] =	sst s0;
	s0 =	simm.s32 @!p1 $0x0  }
0x14: {  	s2 =	sld [smem:$0x3F92];
	s0 =	simm.s32 @p1 $0x1  }
0x15: {  	[smem:$0x3FAF] =	sst s0;
	s0 =	simm.s32 @!p2 $0x0  }
0x16: {  	s3 =	sld [smem:$0x3FDB];
	s0 =	simm.s32 @p2 $0x1  }
0x17: {  	s4 =	simm.s32 $0x1BF5;
	[smem:$0x3FB1] =	sst s0  }
0x18: {  	s0 =	sld [smem:$0x3F94];
	_ =	swait.ge [sflag:s4], $0x0  }
0x19: {  	s7 =	sld [smem:$0x3F95]  }
0x1a: {  	s8 =	sadd.s32 $0xFFFFE003, lr  }
0x1b: {  	s9 =	sadd.s32 $0xFFFFFEF7, lr;
	s5 =	simm.s32 $0xFFFFFFFF;
	p2 =	slt.u32 s8, $0xFFFFF086  }
0x1c: {  	p1 =	slt.u32 s9, $0xF7A;
	s5 =	simm.s32 @!p2 $0x0  }
0x1d: {  	s5 =	simm.s32 @p1 $0x1;
	p0 =	seq.s32 s7, s2  }
0x1e: {  	s7 =	smul.u32 @!p0 $0xF7A, s2;
	p2 =	seq.s32 @!p0 s5, $0x0  }
0x1f: {  	s9 =	smul.u32 $0xF7A, s1;
	s8 =	simm.s32 @!p0 $0x1BF5;
	p2 =	por !p2, p0  }
0x20: {  	[sflag:s8] =	ssyncset.s32 @!p0 $0xFFFFF086;
	s6 =	sadd.s32 @!p0 s3, s7;
	s7 =	simm.s32 @!p0 $0x108  }
0x21: {  	s3 =	sadd.s32 s3, s9;
	s6 =	sadd.s32 @!p0 $0x88, s6;
	s7 =	simm.s32 @p2 $0x1082  }
0x22: {  	[simem:s7], [sflag:s8] =	dma.local @!p0 [hbm:s6], $0xF7A  }
0x23: {  	s9 =	sor.u32 $0xD0000000, s2;
	s6 =	simm.s32 $0x108;
	_ =	swait.ge @!p0 [sflag:s8], $0x0  }
0x24: {  	s3 =	sadd.s32 $0x88, s3;
	s6 =	simm.s32 @!p1 $0x1082;
	[sflag:s4] =	ssyncset.s32 $0xFFFFF086  }
0x25: {  	[simem:s6], [sflag:s4] =	dma.local [hbm:s3], $0xF7A  }
0x26: {  	[smem:$0x3F95] =	sst s1;
	(tag) =	ssettag s2;
	_ =	strace s9  }
0x27: {  	s1 =	sld [smem:$0x3FA5]  }
0x28: {  	s2 =	sld [smem:$0x3FA6]  }
0x29: {  	s4 =	sld [smem:$0x3FA8]  }
0x2a: {  	p0 =	seq.s32 s5, $0x0;
	s5 =	sld [smem:$0x3FA9]  }
0x2b: {  	s6 =	sld [smem:$0x3FAA]  }
0x2c: {  	s7 =	sld [smem:$0x3FAB]  }
0x2d: {  	s3 =	simm.s32 $0x108;
	s8 =	sld [smem:$0x3FAC]  }
0x2e: {  	s3 =	simm.s32 @!p0 $0x1082;
	s9 =	sld [smem:$0x3FAD]  }
0x2f: {  	lr =	sadd.s32 s0, s3;
	s0 =	sld [smem:$0x3FA4]  }
0x30: {  	s3 =	sld [smem:$0x3FA7]  }
0x31: {  	[smem:$0x3FB0] =	sst s10  }
0x32: {  	s10 =	sld [smem:$0x3FAE];
	_ =	sdelay $0x3  }
0x33: {  	p0 =	seq.s32 s10, $0x1;
	s10 =	sld [smem:$0x3FB0];
	_ =	sdelay $0x3  }
0x34: {  	[smem:$0x3FB0] =	sst s10  }
0x35: {  	s10 =	sld [smem:$0x3FAF];
	_ =	sdelay $0x3  }
0x36: {  	p1 =	seq.s32 s10, $0x1;
	s10 =	sld [smem:$0x3FB0];
	_ =	sdelay $0x3  }
0x37: {  	[smem:$0x3FB0] =	sst s10  }
0x38: {  	s10 =	sld [smem:$0x3FB1]  }
0x39: {  	_ = 	snop;
	(pc) =	sbr.ind lr, $3  }
0x3a: {  	_ = 	snop  }
0x3b: {  	_ = 	snop  }
0x3c: {  	p2 =	seq.s32 s10, $0x1;
	s10 =	sld [smem:$0x3FB0]  }
0x3d: {  	_ =	shalt  }
0x3e: {  	_ =	shalt  }
0x3f: {  	_ =	shalt  }
0x40: {  	_ =	shalt  }
0x41: {  	_ =	shalt  }
0x42: {  	_ =	shalt  }
0x43: {  	_ =	shalt  }
0x44: {  	_ =	shalt  }
0x45: {  	_ =	shalt  }
0x46: {  	_ =	shalt  }
0x47: {  	_ =	shalt  }
0x48: {  	_ =	shalt  }
0x49: {  	_ =	shalt  }
0x4a: {  	_ =	shalt  }
0x4b: {  	_ =	shalt  }
0x4c: {  	_ =	shalt  }
0x4d: {  	_ =	shalt  }
0x4e: {  	_ =	shalt  }
0x4f: {  	_ =	shalt  }
0x50: {  	_ =	shalt  }
0x51: {  	_ =	shalt  }
0x52: {  	_ =	shalt  }
0x53: {  	_ =	shalt  }
0x54: {  	_ =	shalt  }
0x55: {  	_ =	shalt  }
0x56: {  	_ =	shalt  }
0x57: {  	_ =	shalt  }
0x58: {  	_ =	shalt  }
0x59: {  	_ =	shalt  }
0x5a: {  	_ =	shalt  }
0x5b: {  	_ =	shalt  }
0x5c: {  	_ =	shalt  }
0x5d: {  	_ =	shalt  }
0x5e: {  	_ =	shalt  }
0x5f: {  	_ =	shalt  }
0x60: {  	_ =	shalt  }
0x61: {  	_ =	shalt  }
0x62: {  	_ =	shalt  }
0x63: {  	_ =	shalt  }
0x64: {  	_ =	shalt  }
0x65: {  	_ =	shalt  }
0x66: {  	_ =	shalt  }
0x67: {  	_ =	shalt  }
0x68: {  	_ =	shalt  }
0x69: {  	_ =	shalt  }
0x6a: {  	_ =	shalt  }
0x6b: {  	_ =	shalt  }
0x6c: {  	_ =	shalt  }
0x6d: {  	_ =	shalt  }
0x6e: {  	_ =	shalt  }
0x6f: {  	_ =	shalt  }
0x70: {  	_ =	shalt  }
0x71: {  	_ =	shalt  }
0x72: {  	_ =	shalt  }
0x73: {  	_ =	shalt  }
0x74: {  	_ =	shalt  }
0x75: {  	_ =	shalt  }
0x76: {  	_ =	shalt  }
0x77: {  	_ =	shalt  }
0x78: {  	_ =	shalt  }
0x79: {  	_ =	shalt  }
0x7a: {  	_ =	shalt  }
0x7b: {  	_ =	shalt  }
0x7c: {  	_ =	shalt  }
0x7d: {  	_ =	shalt  }
0x7e: {  	_ =	shalt  }
0x7f: {  	_ =	shalt  }
0x80: {  	_ =	shalt  }
0x81: {  	_ =	shalt  }
0x82: {  	_ =	shalt  }
0x83: {  	_ =	shalt  }
0x84: {  	_ =	shalt  }
0x85: {  	_ =	shalt  }
0x86: {  	_ =	shalt  }
0x87: {  	_ =	shalt  }
.Lfunc_end0:
.L_simem_size_0:
called_computation_lowered:
.L_overlay_start_0:
0x88: {  	s2 =	sld [smem:$0x3FD9]  }
0x89: {  	s3 =	sld [smem:$0x3FFE];
	_ =	sdelay $0x1  }
0x8a: {  	s1 =	srdreg.scid  }
0x8b: {  	s0 =	sand.u32 $0x1, s1  }
0x8c: {  	s17 =	sshll.u32 s0, $0xA;
	s2 =	sadd.s32 s3, s2  }
0x8d: {  	s2 =	sadd.s32 s2, s17  }
0x8e: {  	[smem:$0x3FBC] =	sst s2  }
0x8f: {  	_ = 	snop  }
0x90: {  	s2 =	sld [smem:$0x3FC9];
	(tm) =	ssettm $0x1  }
0x91: {  	s18 =	sld [smem:$0x3FFB];
	_ =	sdelay $0x3  }
0x92: {  	_ =	strace s18  }
0x93: {  	s3 =	sld [smem:$0x3FFC];
	_ =	sdelay $0x3  }
0x94: {  	_ =	strace s3  }
0x95: {  	s3 =	sld [smem:$0x3FFD];
	_ =	sdelay $0x3  }
0x96: {  	_ =	strace s3  }
0x97: {  	_ =	strace $0x8FFFFFFF  }
0x98: {  	s19 =	sld [smem:$0x3FDB];
	_ =	sdelay $0x1  }
0x99: {  	s4 =	simm.s32 $_scs_section_size  }
0x9a: {  	s5 =	simm.s32 $_size__tile_overlayer_lowered;
	s6 =	simm.s32 $_tile_overlayer_lowered  }
0x9b: {  	s22 =	simm.s32 $0x1BFF;
	s21 =	sshll.u32 s6, $0x1;
	s3 =	sadd.s32 s4, s19  }
0x9c: {  	s7 =	simm.s32 $0x0;
	s20 =	sshll.u32 s5, $0x1;
	s5 =	sadd.s32 s21, s3  }
0x9d: {  	[timem:s7], [sflag:s22] =	dma.local [hbm:s5], s20  }
0x9e: {  	_ =	swait.ge [sflag:s22], s20  }
0x9f: {  	s4 =	ssub.s32 $0x0, s20;
	[sflag:s22] =	ssyncset.done $0x0  }
0xa0: {  	[sflag:s22] =	ssyncadd.s32 s4;
	_ =	sdelay $0x1  }
0xa1: {  	s23 =	simm.s32 $0x1B8B  }
0xa2: {  	_ =	swait.ge [sflag:s23], $0x1  }
0xa3: {  	[sflag:s23] =	ssyncset.done $0x0  }
0xa4: {  	s25 =	simm.s32 $0x1B8E;
	s24 =	sld [smem:$0x3FFE];
	[sflag:s23] =	ssyncadd.s32 $0xFFFFFFFF  }
0xa5: {  	s26 =	simm.s32 $execute0_lowered;
	[smem:$0x3FD2] =	sst s25  }
0xa6: {  	s5 =	sshll.u32 s26, $0x1;
	_ =	strace $0x80000046;
	[dreg:$0x1] =	wrdreg $0xFFFFFFFF  }
0xa7: {  	s28 =	simm.s32 $_size_execute0_lowered;
	s3 =	sadd.s32 s3, s5;
	[dreg:$0x0] =	wrdreg $0x0  }
0xa8: {  	s5 =	sshll.u32 s28, $0x1;
	[dreg:$0x2] =	wrdreg s3  }
0xa9: {  	[dreg:$0x3] =	wrdreg s5  }
0xaa: {  	[dreg:$0x4] =	wrdreg $0xC0  }
0xab: {  	_ =	task [dreg:s7], $0x5FFFF  }
0xac: {  	[dreg:$0x1] =	wrdreg $0xFFFFFFFF  }
0xad: {  	[dreg:$0x0] =	wrdreg $0x60  }
0xae: {  	[dreg:$0x2] =	wrdreg s24  }
0xaf: {  	[dreg:$0x3] =	wrdreg s2  }
0xb0: {  	[dreg:$0x4] =	wrdreg $0xB8000  }
0xb1: {  	[dreg:$0x5] =	wrdreg $0x9  }
0xb2: {  	_ =	task.clear_ibuf [dreg:s7], $0x6FFFF;
	_ =	strace $0x90000046  }
0xb3: {  	s29 =	simm.s32 $0x9;
	_ =	strace $0x80000048  }
0xb4: {  	_ =	swait.ge [sflag:s29], $0x1  }
0xb5: {  	[sflag:s29] =	ssyncadd.s32 $0xFFFFFFFF  }
0xb6: {  	_ =	strace $0x90000048  }
0xb7: {  	_ =	sfence  }
0xb8: {  	s30 =	sld [smem:$0x0];
	_ =	sdelay $0x2  }
0xb9: {  	s31 =	sshll.u32 s1, $0xD;
	s1 =	sshrl.u32 s1, $0x2  }
0xba: {  	s3 =	sand.u32 $0x4000, s31;
	s1 =	sadd.s32 s1, s30  }
0xbb: {  	s0 =	sor.u32 s3, s0;
	s1 =	sshll.u32 s1, $0x11  }
0xbc: {  	s0 =	sor.u32 s1, s0  }
0xbd: {  	s0 =	sadd.s32 $0x8F2B, s0  }
0xbe: {  	[sflag:s0] =	ssyncadd.remote.s32 $0x1  }
0xbf: {  	_ =	sfence.sel $0xFFFF  }
0xc0: {  	[dreg:$0x0] =	wrdreg $0xFFFFFFFF;
	(pc) =	sbr.abs _section_cstart, $3  }
0xc1: {  	[dreg:$0x1] =	wrdreg $0xFFFFFFFF  }
0xc2: {  	_ =	task.clear_ibuf [dreg:s7], $0x2FFFF;
	_ =	strace $0x9FFFFFFF  }
0xc3: {  	(tm) =	ssettm $0x7FFFFFFF  }
tec
execute0_lowered:
.L_overlay_start_1:
0x0: {  	(tag) =	ssettag $0x1  }
0x1: {  	s0 =	rddreg [dreg:$0x0]  }
0x2: {  	s1 =	rddreg [dreg:$0x1]  }
0x3: {  	s2 =	rddreg [dreg:$0x2];
	s20 =	simm.s32 $0x0  }
0x4: {  	s3 =	srdreg.scid;
	s11 =	stileid.u32;
	s28 =	simm.s32 $0x200  }
0x5: {  	s29 =	simm.s32 $0x400;
	s30 =	simm.s32 $0x800;
	s31 =	simm.s32 $0x680  }
0x6: {  	[smem:$0x7FF] =	sst s20;
	s5 =	sadd.s32 $0xC000, s0;
	s6 =	sadd.s32 $0x16000, s0  }
0x7: {  	s3 =	sand.u32 $0x1, s3;
	s7 =	sadd.s32 $0x2000, s0;
	s8 =	sshll.u32 s11, $0x7  }
0x8: {  	s9 =	smul.u32 $0x280, s11;
	s10 =	sshll.u32 s11, $0x1;
	s12 =	sadd.s32 $0x20800, s0  }
0x9: {  	s14 =	sadd.s32 $0x21000, s0;
	s11 =	smul.u32 $0xA0, s11;
	_ =	strace $0x80000047  }
0xa: {  	s4 =	smul.u32 $0x2800, s3;
	s8 =	sadd.s32 s8, s0;
	[dreg:$0x4] =	wrdreg s12  }
0xb: {  	s10 =	sor.u32 s3, s10;
	[dreg:$0x5] =	wrdreg s14;
	s16 =	ssub.s32 $0x2, s3  }
0xc: {  	s13 =	smul.u32 $0x78, s3;
	p0 =	seq.s32 s3, $0x0;
	s14 =	simm.s32 $0x5000  }
0xd: {  	s3 =	simm.s32 $0x0;
	s15 =	smul.u32 $0x500, s10;
	s17 =	sshrl.u32 s16, $0x1  }
0xe: {  	s10 =	sadd.s32 $0x20000, s8;
	s8 =	simm.s32 $0x3000;
	[dreg:$0xe] =	wrdreg s3  }
0xf: {  	s4 =	sadd.s32 s9, s4;
	s18 =	ssub.s32 s16, s17;
	s19 =	sadd.s32 s13, s11  }
0x10: {  	s11 =	simm.s32 $0xF;
	s16 =	simm.s32 $0x7000;
	s17 =	simm.s32 $0x1  }
0x11: {  	s9 =	simm.s32 $0xBC0;
	[dreg:$0x6] =	wrdreg s10;
	s4 =	sshll.u32 s4, $0x4  }
0x12: {  	s21 =	smax.u32 s18, $0x1;
	s4 =	sadd.s32 s4, s0;
	s0 =	sadd.s32 s15, s0  }
0x13: {  	s11 =	simm.s32 @!p0 $0x5;
	[dreg:$0x8] =	wrdreg s21;
	s0 =	sadd.s32 $0x21600, s0  }
0x14: {  	s12 =	sshrl.u32 s19, $0x3;
	s22 =	sadd.s32 $0x2B600, s4;
	[dreg:$0x7] =	wrdreg s0  }
0x15: {  	s13 =	sshll.u32 s19, $0x7;
	s23 =	sadd.s32 $0x2BE00, s4;
	[dreg:$0x9] =	wrdreg s22  }
0x16: {  	s18 =	simm.s32 $0x2;
	s24 =	sadd.s32 $0x2C600, s4;
	[dreg:$0xa] =	wrdreg s23  }
0x17: {  	s19 =	simm.s32 $0x780;
	s25 =	sadd.s32 $0x2CE00, s4;
	[dreg:$0xb] =	wrdreg s24  }
0x18: {  	s21 =	simm.s32 $0x1000;
	s26 =	sadd.s32 $0x2D600, s4;
	[dreg:$0xc] =	wrdreg s25  }
0x19: {  	s15 =	simm.s32 $0x700;
	s4 =	simm.s32 $0xB80;
	[dreg:$0xd] =	wrdreg s26  }
0x1a: {  	s22 =	simm.s32 $0x5;
	s23 =	simm.s32 $0x9000;
	s24 =	simm.s32 $0x80  }
0x1b: {  	v0 =	vimm.f32 $1.000000000e+00;
	s0 =	simm.s32 $0x40;
	s25 =	simm.s32 $0x3;
	s26 =	simm.s32 $0x4  }
.LBB2_1:
0x1c: {  	s3 =	rddreg [dreg:$0x4]  }
0x1d: {  	[tilespmem:s21], [sflag:$0x5] =	stream.linear.gather [hbm4b:s3+s20], $0x4000, $0x38;
	[tilespmem:$0x1F800] =	vst v63  }
0x1e: {  	_ =	swait.ge [sflag:s22], $0x4000  }
0x1f: {  	[sflag:s22] =	ssyncset.done $0x0  }
0x20: {  	s3 =	rddreg [dreg:$0x5];
	[sflag:s22] =	ssyncadd.s32 $0xFFFFC000  }
0x21: {  	[tilespmem:s23], [sflag:$0x5] =	stream.linear.gather [hbm4b:s3+s20], $0x2800, $0x38;
	[tilespmem:$0x1F800] =	vst v63  }
0x22: {  	_ =	swait.ge [sflag:s22], $0x2800  }
0x23: {  	[sflag:s22] =	ssyncset.done $0x0  }
0x24: {  	[sflag:s22] =	ssyncadd.s32 $0xFFFFD800  }
0x25: {  	[tilespmem:s20], [sflag:$0x5] =	stream.linear.gather [hbm4b:s10+s20], $0x400, $0x38;
	[tilespmem:$0x1F800] =	vst v63  }
0x26: {  	_ =	swait.ge [sflag:s22], $0x400  }
0x27: {  	[sflag:s22] =	ssyncset.done $0x0  }
0x28: {  	[sflag:s22] =	ssyncadd.s32 $0xFFFFFC00  }
0x29: {  	[spmem:s2] =	stream.indirect.scatter [tilespmem:s21], [sflag:$0x5], $0x80, s20, s24, $0xb8;
	[tilespmem:$0x1F800] =	vst v63  }
0x2a: {  	_ =	swait.ge [sflag:s22], $0x4000  }
0x2b: {  	[sflag:s22] =	ssyncset.done $0x0  }
0x2c: {  	[sflag:s22] =	ssyncadd.s32 $0xFFFFC000  }
0x2d: {  	[spmem:s2] =	stream.indirect.scatter [tilespmem:s21], [sflag:$0x5], $0x80, s24, s24, $0xb8;
	[tilespmem:$0x1F800] =	vst v63  }
0x2e: {  	_ =	swait.ge [sflag:s22], $0x4000  }
0x2f: {  	[sflag:s22] =	ssyncset.done $0x0  }
0x30: {  	s10 =	simm.s32 $0x100;
	[sflag:s22] =	ssyncadd.s32 $0xFFFFC000  }
0x31: {  	[spmem:s2] =	stream.indirect.scatter [tilespmem:s21], [sflag:$0x5], $0x80, s10, s24, $0xb8;
	[tilespmem:$0x1F800] =	vst v63  }
0x32: {  	_ =	swait.ge [sflag:s22], $0x4000  }
0x33: {  	[sflag:s22] =	ssyncset.done $0x0  }
0x34: {  	s20 =	simm.s32 $0x180;
	[sflag:s22] =	ssyncadd.s32 $0xFFFFC000  }
0x35: {  	[spmem:s2] =	stream.indirect.scatter [tilespmem:s21], [sflag:$0x5], $0x80, s20, s24, $0xb8;
	[tilespmem:$0x1F800] =	vst v63  }
0x36: {  	_ =	swait.ge [sflag:s22], $0x4000  }
0x37: {  	[sflag:s22] =	ssyncset.done $0x0  }
0x38: {  	[sflag:s22] =	ssyncadd.s32 $0xFFFFC000  }
0x39: {  	[spmem:s2] =	stream.indirect.scatter [tilespmem:s21], [sflag:$0x5], $0x80, s28, s24, $0xb8;
	[tilespmem:$0x1F800] =	vst v63  }
0x3a: {  	_ =	swait.ge [sflag:s22], $0x4000  }
0x3b: {  	[sflag:s22] =	ssyncset.done $0x0  }
0x3c: {  	[sflag:s22] =	ssyncadd.s32 $0xFFFFC000  }
0x3d: {  	s20 =	simm.s32 $0x0;
	[bflag:$0x0] =	sbarrier.arrive $0xFFFF  }
.LBB2_2:
0x3e: {  	s10 =	sadd.s32 s12, s20  }
0x3f: {  	s10 =	sshll.u32 s10, $0x7  }
0x40: {  	s28 =	simm.s32 $0x0;
	s3 =	sshll.u32 s20, $0xA;
	s10 =	sadd.s32 s5, s10  }
0x41: {  	[tilespmem:s29], [sflag:$0x5] =	stream.linear.gather [hbm4b:s10+s28], $0x400, $0x38;
	[tilespmem:$0x1F800] =	vst v63  }
0x42: {  	s10 =	sadd.s32 s13, s3;
	_ =	swait.ge [sflag:s22], $0x400  }
0x43: {  	s10 =	sshrl.u32 s10, $0x3;
	[sflag:s22] =	ssyncset.done $0x0  }
0x44: {  	s3 =	sadd.s32 s6, s10;
	[sflag:s22] =	ssyncadd.s32 $0xFFFFFC00  }
0x45: {  	[tilespmem:s30], [sflag:$0x5] =	stream.linear.gather [hbm4b:s3+s28], $0x400, $0x38;
	[tilespmem:$0x1F800] =	vst v63  }
0x46: {  	_ =	swait.ge [sflag:s22], $0x400  }
0x47: {  	[sflag:s22] =	ssyncset.done $0x0  }
0x48: {  	s3 =	sadd.s32 s7, s10;
	s10 =	simm.s32 $0xC00;
	[sflag:s22] =	ssyncadd.s32 $0xFFFFFC00  }
0x49: {  	[tilespmem:s10], [sflag:$0x5] =	stream.linear.gather [hbm4b:s3+s28], $0x400, $0x38;
	[tilespmem:$0x1F800] =	vst v63  }
0x4a: {  	_ =	swait.ge [sflag:s22], $0x400  }
0x4b: {  	[sflag:s22] =	ssyncset.done $0x0  }
0x4c: {  	[sflag:s22] =	ssyncadd.s32 $0xFFFFFC00  }
0x4d: {  	[tilespmem:s21], [sflag:$0x1] =	stream.indirect.gather [hbm4b:s1+s0], $0x80, s30, s0, $0xb8;
	[tilespmem:$0x1F800] =	vst v63  }
0x4e: {  	s10 =	simm.s32 $0x840  }
0x4f: {  	[tilespmem:s8], [sflag:$0x2] =	stream.indirect.gather [hbm4b:s1+s0], $0x80, s10, s0, $0xb8;
	[tilespmem:$0x1F800] =	vst v63  }
0x50: {  	s10 =	simm.s32 $0x880  }
0x51: {  	[tilespmem:s14], [sflag:$0x3] =	stream.indirect.gather [hbm4b:s1+s0], $0x80, s10, s0, $0xb8;
	[tilespmem:$0x1F800] =	vst v63  }
0x52: {  	s10 =	simm.s32 $0x8C0  }
0x53: {  	[tilespmem:s16], [sflag:$0x4] =	stream.indirect.gather [hbm4b:s1+s0], $0x80, s10, s0, $0xb8;
	[tilespmem:$0x1F800] =	vst v63  }
0x54: {  	_ =	swait.ge [sflag:s17], $0x2000  }
0x55: {  	[sflag:s17] =	ssyncset.done $0x0  }
0x56: {  	[sflag:s17] =	ssyncadd.s32 $0xFFFFE000  }
0x57: {  	_ =	swait.ge [sflag:s18], $0x2000  }
0x58: {  	[sflag:s18] =	ssyncset.done $0x0  }
0x59: {  	[sflag:s18] =	ssyncadd.s32 $0xFFFFE000  }
0x5a: {  	[spmem:s2] =	stream.indirect.scatter.add.f32 [tilespmem:s21], [sflag:$0x5], $0x80, s29, s24, $0xb8;
	[tilespmem:$0x1F800] =	vst v63  }
0x5b: {  	_ =	swait.ge [sflag:s22], $0x4000  }
0x5c: {  	[sflag:s22] =	ssyncset.done $0x0  }
0x5d: {  	s10 =	simm.s32 $0x900;
	[sflag:s22] =	ssyncadd.s32 $0xFFFFC000  }
0x5e: {  	[tilespmem:s21], [sflag:$0x1] =	stream.indirect.gather [hbm4b:s1+s0], $0x80, s10, s0, $0xb8;
	[tilespmem:$0x1F800] =	vst v63  }
0x5f: {  	s10 =	simm.s32 $0x940  }
0x60: {  	[tilespmem:s8], [sflag:$0x2] =	stream.indirect.gather [hbm4b:s1+s0], $0x80, s10, s0, $0xb8;
	[tilespmem:$0x1F800] =	vst v63  }
0x61: {  	_ =	swait.ge [sflag:s25], $0x2000  }
0x62: {  	[sflag:s25] =	ssyncset.done $0x0  }
0x63: {  	[sflag:s25] =	ssyncadd.s32 $0xFFFFE000  }
0x64: {  	_ =	swait.ge [sflag:s26], $0x2000  }
0x65: {  	[sflag:s26] =	ssyncset.done $0x0  }
0x66: {  	s10 =	simm.s32 $0x480;
	[sflag:s26] =	ssyncadd.s32 $0xFFFFE000  }
0x67: {  	[spmem:s2] =	stream.indirect.scatter.add.f32 [tilespmem:s14], [sflag:$0x5], $0x80, s10, s24, $0xb8;
	[tilespmem:$0x1F800] =	vst v63  }
0x68: {  	_ =	swait.ge [sflag:s22], $0x4000  }
0x69: {  	[sflag:s22] =	ssyncset.done $0x0  }
0x6a: {  	s10 =	simm.s32 $0x980;
	[sflag:s22] =	ssyncadd.s32 $0xFFFFC000  }
0x6b: {  	[tilespmem:s14], [sflag:$0x3] =	stream.indirect.gather [hbm4b:s1+s0], $0x80, s10, s0, $0xb8;
	[tilespmem:$0x1F800] =	vst v63  }
0x6c: {  	s10 =	simm.s32 $0x9C0  }
0x6d: {  	[tilespmem:s16], [sflag:$0x4] =	stream.indirect.gather [hbm4b:s1+s0], $0x80, s10, s0, $0xb8;
	[tilespmem:$0x1F800] =	vst v63  }
0x6e: {  	_ =	swait.ge [sflag:s17], $0x2000  }
0x6f: {  	[sflag:s17] =	ssyncset.done $0x0  }
0x70: {  	[sflag:s17] =	ssyncadd.s32 $0xFFFFE000  }
0x71: {  	_ =	swait.ge [sflag:s18], $0x2000  }
0x72: {  	[sflag:s18] =	ssyncset.done $0x0  }
0x73: {  	s10 =	simm.s32 $0x500;
	[sflag:s18] =	ssyncadd.s32 $0xFFFFE000  }
0x74: {  	[spmem:s2] =	stream.indirect.scatter.add.f32 [tilespmem:s21], [sflag:$0x5], $0x80, s10, s24, $0xb8;
	[tilespmem:$0x1F800] =	vst v63  }
0x75: {  	_ =	swait.ge [sflag:s22], $0x4000  }
0x76: {  	[sflag:s22] =	ssyncset.done $0x0  }
0x77: {  	s10 =	simm.s32 $0xA00;
	[sflag:s22] =	ssyncadd.s32 $0xFFFFC000  }
0x78: {  	[tilespmem:s21], [sflag:$0x1] =	stream.indirect.gather [hbm4b:s1+s0], $0x80, s10, s0, $0xb8;
	[tilespmem:$0x1F800] =	vst v63  }
0x79: {  	s10 =	simm.s32 $0xA40  }
0x7a: {  	[tilespmem:s8], [sflag:$0x2] =	stream.indirect.gather [hbm4b:s1+s0], $0x80, s10, s0, $0xb8;
	[tilespmem:$0x1F800] =	vst v63  }
0x7b: {  	_ =	swait.ge [sflag:s25], $0x2000  }
0x7c: {  	[sflag:s25] =	ssyncset.done $0x0  }
0x7d: {  	[sflag:s25] =	ssyncadd.s32 $0xFFFFE000  }
0x7e: {  	_ =	swait.ge [sflag:s26], $0x2000  }
0x7f: {  	[sflag:s26] =	ssyncset.done $0x0  }
0x80: {  	s10 =	simm.s32 $0x580;
	[sflag:s26] =	ssyncadd.s32 $0xFFFFE000  }
0x81: {  	[spmem:s2] =	stream.indirect.scatter.add.f32 [tilespmem:s14], [sflag:$0x5], $0x80, s10, s24, $0xb8;
	[tilespmem:$0x1F800] =	vst v63  }
0x82: {  	_ =	swait.ge [sflag:s22], $0x4000  }
0x83: {  	[sflag:s22] =	ssyncset.done $0x0  }
0x84: {  	s10 =	simm.s32 $0xA80;
	[sflag:s22] =	ssyncadd.s32 $0xFFFFC000  }
0x85: {  	[tilespmem:s14], [sflag:$0x3] =	stream.indirect.gather [hbm4b:s1+s0], $0x80, s10, s0, $0xb8;
	[tilespmem:$0x1F800] =	vst v63  }
0x86: {  	s10 =	simm.s32 $0xAC0  }
0x87: {  	[tilespmem:s16], [sflag:$0x4] =	stream.indirect.gather [hbm4b:s1+s0], $0x80, s10, s0, $0xb8;
	[tilespmem:$0x1F800] =	vst v63  }
0x88: {  	_ =	swait.ge [sflag:s17], $0x2000  }
0x89: {  	[sflag:s17] =	ssyncset.done $0x0  }
0x8a: {  	[sflag:s17] =	ssyncadd.s32 $0xFFFFE000  }
0x8b: {  	_ =	swait.ge [sflag:s18], $0x2000  }
0x8c: {  	[sflag:s18] =	ssyncset.done $0x0  }
0x8d: {  	s10 =	simm.s32 $0x600;
	[sflag:s18] =	ssyncadd.s32 $0xFFFFE000  }
0x8e: {  	[spmem:s2] =	stream.indirect.scatter.add.f32 [tilespmem:s21], [sflag:$0x5], $0x80, s10, s24, $0xb8;
	[tilespmem:$0x1F800] =	vst v63  }
0x8f: {  	_ =	swait.ge [sflag:s22], $0x4000  }
0x90: {  	[sflag:s22] =	ssyncset.done $0x0  }
0x91: {  	s10 =	simm.s32 $0xB00;
	[sflag:s22] =	ssyncadd.s32 $0xFFFFC000  }
0x92: {  	[tilespmem:s21], [sflag:$0x1] =	stream.indirect.gather [hbm4b:s1+s0], $0x80, s10, s0, $0xb8;
	[tilespmem:$0x1F800] =	vst v63  }
0x93: {  	s10 =	simm.s32 $0xB40  }
0x94: {  	[tilespmem:s8], [sflag:$0x2] =	stream.indirect.gather [hbm4b:s1+s0], $0x80, s10, s0, $0xb8;
	[tilespmem:$0x1F800] =	vst v63  }
0x95: {  	_ =	swait.ge [sflag:s25], $0x2000  }
0x96: {  	[sflag:s25] =	ssyncset.done $0x0  }
0x97: {  	[sflag:s25] =	ssyncadd.s32 $0xFFFFE000  }
0x98: {  	_ =	swait.ge [sflag:s26], $0x2000  }
0x99: {  	[sflag:s26] =	ssyncset.done $0x0  }
0x9a: {  	[sflag:s26] =	ssyncadd.s32 $0xFFFFE000  }
0x9b: {  	[spmem:s2] =	stream.indirect.scatter.add.f32 [tilespmem:s14], [sflag:$0x5], $0x80, s31, s24, $0xb8;
	[tilespmem:$0x1F800] =	vst v63  }
0x9c: {  	_ =	swait.ge [sflag:s22], $0x4000  }
0x9d: {  	[sflag:s22] =	ssyncset.done $0x0  }
0x9e: {  	[sflag:s22] =	ssyncadd.s32 $0xFFFFC000  }
0x9f: {  	[tilespmem:s14], [sflag:$0x3] =	stream.indirect.gather [hbm4b:s1+s0], $0x80, s4, s0, $0xb8;
	[tilespmem:$0x1F800] =	vst v63  }
0xa0: {  	_ = 	snop  }
0xa1: {  	[tilespmem:s16], [sflag:$0x4] =	stream.indirect.gather [hbm4b:s1+s0], $0x80, s9, s0, $0xb8;
	[tilespmem:$0x1F800] =	vst v63  }
0xa2: {  	_ =	swait.ge [sflag:s17], $0x2000  }
0xa3: {  	[sflag:s17] =	ssyncset.done $0x0  }
0xa4: {  	[sflag:s17] =	ssyncadd.s32 $0xFFFFE000  }
0xa5: {  	_ =	swait.ge [sflag:s18], $0x2000  }
0xa6: {  	[sflag:s18] =	ssyncset.done $0x0  }
0xa7: {  	[sflag:s18] =	ssyncadd.s32 $0xFFFFE000  }
0xa8: {  	[spmem:s2] =	stream.indirect.scatter.add.f32 [tilespmem:s21], [sflag:$0x5], $0x80, s15, s24, $0xb8;
	[tilespmem:$0x1F800] =	vst v63  }
0xa9: {  	_ =	swait.ge [sflag:s22], $0x4000  }
0xaa: {  	[sflag:s22] =	ssyncset.done $0x0  }
0xab: {  	[sflag:s22] =	ssyncadd.s32 $0xFFFFC000  }
0xac: {  	_ =	swait.ge [sflag:s25], $0x2000  }
0xad: {  	[sflag:s25] =	ssyncset.done $0x0  }
0xae: {  	[sflag:s25] =	ssyncadd.s32 $0xFFFFE000  }
0xaf: {  	_ =	swait.ge [sflag:s26], $0x2000  }
0xb0: {  	[sflag:s26] =	ssyncset.done $0x0  }
0xb1: {  	[sflag:s26] =	ssyncadd.s32 $0xFFFFE000  }
0xb2: {  	[spmem:s2] =	stream.indirect.scatter.add.f32 [tilespmem:s14], [sflag:$0x5], $0x80, s19, s24, $0xb8;
	[tilespmem:$0x1F800] =	vst v63  }
0xb3: {  	_ =	swait.ge [sflag:s22], $0x4000  }
0xb4: {  	[sflag:s22] =	ssyncset.done $0x0  }
0xb5: {  	s28 =	simm.s32 $0x40;
	s10 =	simm.s32 $0x0;
	[sflag:s22] =	ssyncadd.s32 $0xFFFFC000  }
.LBB2_3:
0xb6: {  	p0 =	sne.s32 s28, $0xFC0;
	v1 =	vld [tilespmem:s10+$0xC00];
	_ =	sdelay $0x3  }
.Ltmp0:
0xb7: {  	(pc) =	sbr.rel @p0 .LBB2_3-.Ltmp0, $2  }
0xb8: {  	_ =	sdelay $0x2  }
0xb9: {  	s10 =	sshra.s32 s28, $0x2;
	s28 =	sadd.s32 $0x40, s28;
	[tilespmem:v1+s23+$0x0] =	vst.idx.add.f32.msk $0xffff, v0  }
0xba: {  	v1 =	vld [tilespmem:s10+$0xC00];
	_ =	sdelay $0x1  }
0xbb: {  	s20 =	sadd.s32 $0x1, s20  }
0xbc: {  	p0 =	sne.s32 s20, s11  }
.Ltmp1:
0xbd: {  	_ = 	snop;
	(pc) =	sbr.rel @p0 .LBB2_2-.Ltmp1, $2  }
0xbe: {  	_ =	sdelay $0x2  }
0xbf: {  	[tilespmem:v1+s23+$0x0] =	vst.idx.add.f32.msk $0xffff, v0  }
0xc0: {  	[bflag:$0x0] =	sbarrier.arrive $0xFFFF  }
0xc1: {  	s20 =	simm.s32 $0x0;
	s3 =	rddreg [dreg:$0x6]  }
0xc2: {  	[tilespmem:s20], [sflag:$0x5] =	stream.linear.gather [hbm4b:s3+s20], $0x400, $0x38;
	[tilespmem:$0x1F800] =	vst v63  }
0xc3: {  	_ =	swait.ge [sflag:s22], $0x400  }
0xc4: {  	[sflag:s22] =	ssyncset.done $0x0  }
0xc5: {  	[sflag:s22] =	ssyncadd.s32 $0xFFFFFC00  }
0xc6: {  	[tilespmem:s21], [sflag:$0x5] =	stream.indirect.gather [spmem:s2], $0x80, s20, s24, $0xb8;
	[tilespmem:$0x1F800] =	vst v63  }
0xc7: {  	_ =	swait.ge [sflag:s22], $0x4000  }
0xc8: {  	[sflag:s22] =	ssyncset.done $0x0  }
0xc9: {  	s10 =	rddreg [dreg:$0x9];
	[sflag:s22] =	ssyncadd.s32 $0xFFFFC000  }
0xca: {  	[hbm4b:s10+s20] =	stream.linear.scatter [tilespmem:s21], [sflag:$0x5], $0x4000, $0x38;
	[tilespmem:$0x1F800] =	vst v63  }
0xcb: {  	_ =	swait.ge [sflag:s22], $0x4000  }
0xcc: {  	[sflag:s22] =	ssyncset.done $0x0  }
0xcd: {  	[sflag:s22] =	ssyncadd.s32 $0xFFFFC000  }
0xce: {  	[tilespmem:s21], [sflag:$0x5] =	stream.indirect.gather [spmem:s2], $0x80, s24, s24, $0xb8;
	[tilespmem:$0x1F800] =	vst v63  }
0xcf: {  	_ =	swait.ge [sflag:s22], $0x4000  }
0xd0: {  	[sflag:s22] =	ssyncset.done $0x0  }
0xd1: {  	s10 =	rddreg [dreg:$0xa];
	[sflag:s22] =	ssyncadd.s32 $0xFFFFC000  }
0xd2: {  	[hbm4b:s10+s20] =	stream.linear.scatter [tilespmem:s21], [sflag:$0x5], $0x4000, $0x38;
	[tilespmem:$0x1F800] =	vst v63  }
0xd3: {  	_ =	swait.ge [sflag:s22], $0x4000  }
0xd4: {  	[sflag:s22] =	ssyncset.done $0x0  }
0xd5: {  	s10 =	simm.s32 $0x100;
	[sflag:s22] =	ssyncadd.s32 $0xFFFFC000  }
0xd6: {  	[tilespmem:s21], [sflag:$0x5] =	stream.indirect.gather [spmem:s2], $0x80, s10, s24, $0xb8;
	[tilespmem:$0x1F800] =	vst v63  }
0xd7: {  	_ =	swait.ge [sflag:s22], $0x4000  }
0xd8: {  	[sflag:s22] =	ssyncset.done $0x0  }
0xd9: {  	s10 =	rddreg [dreg:$0xb];
	[sflag:s22] =	ssyncadd.s32 $0xFFFFC000  }
0xda: {  	[hbm4b:s10+s20] =	stream.linear.scatter [tilespmem:s21], [sflag:$0x5], $0x4000, $0x38;
	[tilespmem:$0x1F800] =	vst v63  }
0xdb: {  	_ =	swait.ge [sflag:s22], $0x4000  }
0xdc: {  	[sflag:s22] =	ssyncset.done $0x0  }
0xdd: {  	s10 =	simm.s32 $0x180;
	[sflag:s22] =	ssyncadd.s32 $0xFFFFC000  }
0xde: {  	[tilespmem:s21], [sflag:$0x5] =	stream.indirect.gather [spmem:s2], $0x80, s10, s24, $0xb8;
	[tilespmem:$0x1F800] =	vst v63  }
0xdf: {  	_ =	swait.ge [sflag:s22], $0x4000  }
0xe0: {  	[sflag:s22] =	ssyncset.done $0x0  }
0xe1: {  	s10 =	rddreg [dreg:$0xc];
	[sflag:s22] =	ssyncadd.s32 $0xFFFFC000  }
0xe2: {  	[hbm4b:s10+s20] =	stream.linear.scatter [tilespmem:s21], [sflag:$0x5], $0x4000, $0x38;
	[tilespmem:$0x1F800] =	vst v63  }
0xe3: {  	_ =	swait.ge [sflag:s22], $0x4000  }
0xe4: {  	[sflag:s22] =	ssyncset.done $0x0  }
0xe5: {  	s28 =	simm.s32 $0x200;
	[sflag:s22] =	ssyncadd.s32 $0xFFFFC000  }
0xe6: {  	[tilespmem:s21], [sflag:$0x5] =	stream.indirect.gather [spmem:s2], $0x80, s28, s24, $0xb8;
	[tilespmem:$0x1F800] =	vst v63  }
0xe7: {  	_ =	swait.ge [sflag:s22], $0x4000  }
0xe8: {  	[sflag:s22] =	ssyncset.done $0x0  }
0xe9: {  	s10 =	rddreg [dreg:$0xd];
	[sflag:s22] =	ssyncadd.s32 $0xFFFFC000  }
0xea: {  	[hbm4b:s10+s20] =	stream.linear.scatter [tilespmem:s21], [sflag:$0x5], $0x4000, $0x38;
	[tilespmem:$0x1F800] =	vst v63  }
0xeb: {  	_ =	swait.ge [sflag:s22], $0x4000  }
0xec: {  	[sflag:s22] =	ssyncset.done $0x0  }
0xed: {  	s10 =	rddreg [dreg:$0x7];
	[sflag:s22] =	ssyncadd.s32 $0xFFFFC000  }
0xee: {  	[hbm4b:s10+s20] =	stream.linear.scatter [tilespmem:s23], [sflag:$0x5], $0x2800, $0x38;
	[tilespmem:$0x1F800] =	vst v63  }
0xef: {  	_ =	swait.ge [sflag:s22], $0x2800  }
0xf0: {  	s10 =	rddreg [dreg:$0xe]  }
0xf1: {  	s3 =	rddreg [dreg:$0x8];
	s10 =	sadd.s32 $0x1, s10  }
0xf2: {  	p0 =	sne.s32 s10, s3  }
.Ltmp2:
0xf3: {  	_ = 	snop;
	(pc) =	sbr.rel @p0 .LBB2_1-.Ltmp2, $3  }
0xf4: {  	_ =	sdelay $0x1  }
0xf5: {  	[sflag:s22] =	ssyncset.done $0x0;
	[dreg:$0xe] =	wrdreg s10  }
0xf6: {  	[sflag:s22] =	ssyncadd.s32 $0xFFFFD800;
	s10 =	rddreg [dreg:$0x6]  }
0xf7: {  	_ =	sfence.sel $0x180000  }
0xf8: {  	[bflag:$0x0] =	sbarrier.arrive $0xFFFF  }
0xf9: {  	_ =	strace $0x90000047  }
0xfa: {  	s0 =	stileid.u32;
	[bflag:$0x2] =	sbarrier.arrive $0xFFFF  }
0xfb: {  	p0 =	sne.s32 s0, $0x0;
	s0 =	rddreg [dreg:$0x3]  }
0xfc: {  	s0 =	sadd.s32 @!p0 $0x100000, s0  }
0xfd: {  	[sflag:s0] =	ssyncadd.tile.s32 @!p0 $0x1;
	_ =	shalt  }
.Lfunc_end2:
_tile_overlayer_lowered:
.L_overlay_start_2:
0xfe: {  	(tag) =	ssettag $0x2  }
0xff: {  	s0 =	rddreg [dreg:$0x0];
	s2 =	stileid.u32  }
0x100: {  	s1 =	rddreg [dreg:$0x1];
	p0 =	sne.s32 s2, $0x0  }
0x101: {  	s3 =	rddreg [dreg:$0x2];
	[bflag:$0x3] =	sbarrier.arrive $0xFFFF;
	s2 =	simm.s32 @!p0 $0x1C05  }
0x102: {  	[timem:s3], [sflag:s2] =	dma.local @!p0 [hbm:s0], s1  }
0x103: {  	s0 =	simm.s32 @!p0 $0x5  }
0x104: {  	_ =	swait.ge @!p0 [sflag:s0], s1  }
0x105: {  	s1 =	ssub.s32 @!p0 $0x0, s1;
	[sflag:s0] =	ssyncset.done @!p0 $0x0  }
0x106: {  	[sflag:s0] =	ssyncadd.s32 @!p0 s1  }
0x107: {  	[bflag:$0x3] =	sbarrier.arrive $0xFFFF  }
0x108: {  	_ =	shalt  }

</sc_bundles>
